<compile_context>
chip_gen: v7x
topology: tpu7x:2x2x1
jax: 0.10.2.dev20260603
libtpu: 0.0.44.dev20260713+nightly
codegen_flags: <defaults>
</compile_context>

<pallas_src>
import functools

import jax
import jax.numpy as jnp
from jax import lax
from jax.experimental import pallas as pl
from jax.experimental.pallas import tpu as pltpu
from jax.experimental.pallas import tpu_sc as plsc

N = 10000
E = 320000
D = 128
H = 128

NC = 2
NS = 16
NW = NC * NS
EPT = E // NW
CH = 100
NCHUNK = EPT // CH
NP = 10240
RPT = NP // NS

@functools.lru_cache(maxsize=None)
def _sc_kernels():
    mesh = plsc.VectorSubcoreMesh(
        core_axis_name="c", subcore_axis_name="s",
        num_cores=NC, num_subcores=NS,
    )

    @functools.partial(
        pl.kernel,
        out_type=jax.ShapeDtypeStruct((NC, NP, H), jnp.float32),
        mesh=mesh,
        scratch_types=[
            pltpu.VMEM((NCHUNK, CH), jnp.int32),
            pltpu.VMEM((CH, H), jnp.float32),
            pltpu.VMEM_SHARED((NP, H), jnp.float32),
        ],
    )
    def sc_hist(dst_hbm, zeros_hbm, ones_hbm, out_hbm, dst_v, ones_v, acc_sh):
        c = lax.axis_index("c")
        s = lax.axis_index("s")
        wid = c * NS + s

        pltpu.sync_copy(zeros_hbm.at[pl.ds(s * RPT, RPT)],
                        acc_sh.at[pl.ds(s * RPT, RPT)])
        pltpu.sync_copy(dst_hbm.at[wid], dst_v)
        pltpu.sync_copy(ones_hbm, ones_v)

        plsc.subcore_barrier()

        @pl.loop(0, NCHUNK)
        def _(j):
            pltpu.sync_copy(ones_v, acc_sh.at[dst_v.at[j]], add=True)

        plsc.subcore_barrier()
        plsc.subcore_barrier()
        pltpu.sync_copy(acc_sh.at[pl.ds(s * RPT, RPT)],
                        out_hbm.at[c, pl.ds(s * RPT, RPT)])

    @functools.partial(
        pl.kernel,
        out_type=jax.ShapeDtypeStruct((NC, NP, H), jnp.float32),
        mesh=mesh,
        scratch_types=[
            pltpu.VMEM((NCHUNK, CH), jnp.int32),
            pltpu.VMEM((NCHUNK, CH), jnp.int32),
            pltpu.VMEM((CH, H), jnp.float32),
            pltpu.VMEM_SHARED((NP, H), jnp.float32),
        ],
    )
    def sc_conv(g_hbm, src_hbm, dst_hbm, zeros_hbm, out_hbm,
                src_v, dst_v, rows_a, acc_sh):
        c = lax.axis_index("c")
        s = lax.axis_index("s")
        wid = c * NS + s

        pltpu.sync_copy(zeros_hbm.at[pl.ds(s * RPT, RPT)],
                        acc_sh.at[pl.ds(s * RPT, RPT)])
        pltpu.sync_copy(src_hbm.at[wid], src_v)
        pltpu.sync_copy(dst_hbm.at[wid], dst_v)
        plsc.subcore_barrier()

        @pl.loop(0, NCHUNK)
        def _(j):
            pltpu.sync_copy(g_hbm.at[src_v.at[j]], rows_a)
            pltpu.sync_copy(rows_a, acc_sh.at[dst_v.at[j]], add=True)

        plsc.subcore_barrier()
        plsc.subcore_barrier()
        pltpu.sync_copy(acc_sh.at[pl.ds(s * RPT, RPT)],
                        out_hbm.at[c, pl.ds(s * RPT, RPT)])

    return sc_hist, sc_conv




def _tc_mm1_body(x_ref, w1_ref, b1_ref, wc_ref, o_ref):
    w1c = jnp.dot(w1_ref[...], wc_ref[...], preferred_element_type=jnp.float32)
    b1c = jnp.dot(b1_ref[...], wc_ref[...], preferred_element_type=jnp.float32)
    o_ref[...] = (
        jnp.dot(x_ref[...], w1c, preferred_element_type=jnp.float32) + b1c
    )


def _tc_g1_body(hist_ref, hc1_ref, g1_ref, dinv_ref):
    deg = hist_ref[0, :N, :1] + hist_ref[1, :N, :1] + 1.0
    dinv = lax.rsqrt(deg)
    dinv_ref[...] = dinv
    g1_ref[...] = hc1_ref[...] * dinv


def _bn_act(pre, gamma, beta):
    mean = jnp.mean(pre, axis=0, keepdims=True)
    var = jnp.mean((pre - mean) ** 2, axis=0, keepdims=True)
    h = (pre - mean) * lax.rsqrt(var + 1e-5) * gamma + beta
    return jnp.where(h > 0, h, 0.01 * h)


def _tc_mid_body(sp_ref, g_ref, dinv_ref, bc_ref, gamma_ref, beta_ref,
                 wc_ref, o_ref):
    dinv = dinv_ref[...]
    pre = dinv * (sp_ref[0, :N] + sp_ref[1, :N] + g_ref[...]) + bc_ref[...]
    a = _bn_act(pre, gamma_ref[...], beta_ref[...])
    o_ref[...] = (
        jnp.dot(a, wc_ref[...], preferred_element_type=jnp.float32) * dinv
    )


def _tc_final_body(sp_ref, g_ref, dinv_ref, bc_ref, gamma_ref, beta_ref,
                   w2_ref, b2_ref, wo_ref, bo_ref, o_ref):
    pre = dinv_ref[...] * (sp_ref[0, :N] + sp_ref[1, :N] + g_ref[...]) + bc_ref[...]
    a = _bn_act(pre, gamma_ref[...], beta_ref[...])
    w2o = jnp.dot(w2_ref[...], wo_ref[...], preferred_element_type=jnp.float32)
    c = jnp.dot(b2_ref[...], wo_ref[...],
                preferred_element_type=jnp.float32) + bo_ref[...]
    z = jnp.dot(a, w2o, preferred_element_type=jnp.float32) + c
    o_ref[...] = jax.nn.sigmoid(z)


def _tc_call(body, out_shape, *args):
    return pl.pallas_call(
        body, out_shape=jax.ShapeDtypeStruct(out_shape, jnp.float32)
    )(*args)




def kernel(x, edge_index, W1, b1, Wc, bc, gamma, beta, W2, b2, Wo, bo):
    src_r = edge_index[0].reshape(NW, NCHUNK, CH)
    dst_r = edge_index[1].reshape(NW, NCHUNK, CH)
    z128 = jnp.zeros((NP, H), jnp.float32)
    b1r = b1.reshape(1, H)
    bcr = bc.reshape(1, H)
    gammar = gamma.reshape(1, H)
    betar = beta.reshape(1, H)
    b2r = b2.reshape(1, H)
    bor = bo.reshape(1, 1)

    sc_hist, sc_conv = _sc_kernels()

    ones_rows = jnp.ones((CH, H), jnp.float32)

    hist = sc_hist(dst_r, z128, ones_rows)
    hc1 = _tc_call(_tc_mm1_body, (N, H), x, W1, b1r, Wc)

    g1, dinv = pl.pallas_call(
        _tc_g1_body,
        out_shape=(
            jax.ShapeDtypeStruct((N, H), jnp.float32),
            jax.ShapeDtypeStruct((N, 1), jnp.float32),
        ),
    )(hist, hc1)

    sp1 = sc_conv(g1, src_r, dst_r, z128)
    g2 = _tc_call(_tc_mid_body, (N, H), sp1, g1, dinv, bcr, gammar, betar, Wc)
    sp2 = sc_conv(g2, src_r, dst_r, z128)
    return _tc_call(_tc_final_body, (N, 1), sp2, g2, dinv, bcr, gammar,
                    betar, W2, b2r, Wo, bor)

# --- scband reference (transcript-rebuilt; emitter-appended) ---
"""Pipeline reference for scband-gcnmodel-29540785062552 (READ-ONLY COPY).

The authoritative reference and input builder live on the scoring server;
editing this copy changes nothing except your own understanding.
"""

import jax, jax.numpy as jnp
import numpy as np

N = 10000
E = 320000
D = 128
H = 128


def setup_inputs(seed: int = 0) -> dict:
    key = jax.random.key(seed)
    ks = jax.random.split(key, 16)
    x = jax.random.normal(ks[0], (N, D), dtype=jnp.float32)
    edge_index = jax.random.randint(ks[1], (2, E), 0, N, dtype=jnp.int32)
    W1 = jax.random.normal(ks[2], (D, H), dtype=jnp.float32) * 0.05
    b1 = jnp.zeros((H,), dtype=jnp.float32)
    Wc = jax.random.normal(ks[3], (H, H), dtype=jnp.float32) * 0.05
    bc = jnp.zeros((H,), dtype=jnp.float32)
    gamma = jnp.ones((H,), dtype=jnp.float32)
    beta = jnp.zeros((H,), dtype=jnp.float32)
    W2 = jax.random.normal(ks[4], (H, H), dtype=jnp.float32) * 0.05
    b2 = jnp.zeros((H,), dtype=jnp.float32)
    Wo = jax.random.normal(ks[5], (H, 1), dtype=jnp.float32) * 0.05
    bo = jnp.zeros((1,), dtype=jnp.float32)
    return {"x": x, "edge_index": edge_index, "W1": W1, "b1": b1, "Wc": Wc, "bc": bc,
            "gamma": gamma, "beta": beta, "W2": W2, "b2": b2, "Wo": Wo, "bo": bo}


def _gcn_conv(h, edge_index, Wc, bc):
    # PyG-style GCNConv: x' = D^{-1/2} (A + I) D^{-1/2} (x W) + b
    n = h.shape[0]
    h = h @ Wc
    loop = jnp.arange(n, dtype=edge_index.dtype)
    src = jnp.concatenate([edge_index[0], loop])
    dst = jnp.concatenate([edge_index[1], loop])
    deg = jnp.zeros((n,), dtype=h.dtype).at[dst].add(1.0)
    dinv = jnp.where(deg > 0, jax.lax.rsqrt(deg), 0.0)
    norm = dinv[src] * dinv[dst]
    msg = h[src] * norm[:, None]
    out = jnp.zeros_like(h).at[dst].add(msg)
    return out + bc


def _batchnorm(h, gamma, beta, eps=1e-5):
    mean = jnp.mean(h, axis=0)
    var = jnp.var(h, axis=0)
    return (h - mean) * jax.lax.rsqrt(var + eps) * gamma + beta


def _leaky_relu(h, slope=0.01):
    return jnp.where(h > 0, h, slope * h)


def reference(x, edge_index, W1, b1, Wc, bc, gamma, beta, W2, b2, Wo, bo):
    h = x @ W1 + b1
    # dropout is identity in eval-mode reference
    h = _gcn_conv(h, edge_index, Wc, bc)
    h = _batchnorm(h, gamma, beta)
    h = _leaky_relu(h)
    h = _gcn_conv(h, edge_index, Wc, bc)
    h = _batchnorm(h, gamma, beta)
    h = _leaky_relu(h)
    h = h @ W2 + b2
    h = h @ Wo + bo
    return jax.nn.sigmoid(h)

if __name__ == "__main__":
    import jax
    _d = setup_inputs()
    print(jax.jit(kernel)(*tuple(_d.values())))

</pallas_src>

<mosaic_0001>
#map = affine_map<(d0, d1) -> (0, 0)>
#map1 = affine_map<(d0, d1) -> (0, 0, 0)>
module attributes {stable_mosaic.version = 14 : i64} {
  func.func @sc_conv(%arg0: i32, %arg1: i32, %arg2: memref<10000x128xf32, #tpu.memory_space<hbm>>, %arg3: memref<32x100x100xi32, #tpu.memory_space<hbm>>, %arg4: memref<32x100x100xi32, #tpu.memory_space<hbm>>, %arg5: memref<10240x128xf32, #tpu.memory_space<hbm>>, %arg6: memref<2x10240x128xf32, #tpu.memory_space<hbm>>, %arg7: memref<100x100xi32, #tpu.memory_space<vmem>>, %arg8: memref<100x100xi32, #tpu.memory_space<vmem>>, %arg9: memref<100x128xf32, #tpu.memory_space<vmem>>, %arg10: memref<10240x128xf32, #tpu.memory_space<vmem_shared>>) attributes {dimension_semantics = [#tpu.dimension_semantics<core_parallel>, #tpu.dimension_semantics<subcore_parallel>], iteration_bounds = array<i64: 2, 16>, scalar_prefetch = 0 : i64, scratch_operands = 4 : i64, tpu.core_type = #tpu.core_type<sc_vector_subcore>, window_params = [{transform_indices = #map}, {transform_indices = #map1}, {transform_indices = #map1}, {transform_indices = #map}, {transform_indices = #map1}]} {
    %mul3A = arith.constant 16 : i32
    %mul3A_0 = arith.muli %arg0, %mul3A : i32
    %add3A = arith.addi %mul3A_0, %arg1 : i32
    %mul3A_1 = arith.constant 640 : i32
    %mul3A_2 = arith.muli %arg1, %mul3A_1 : i32
    %mul3A_3 = arith.constant 640 : i32
    %mul3A_4 = arith.muli %arg1, %mul3A_3 : i32
    "tpu.region"() ({
      %run_scoped3A = tpu.sem_alloc : memref<!tpu.dma_semaphore, #tpu.memory_space<semaphore_mem>>
      %dma_start3A = arith.constant 0 : i32
      %dma_start3A_15 = tpu.memref_slice %arg10[%mul3A_4, %dma_start3A] : memref<10240x128xf32, #tpu.memory_space<vmem_shared>> -> memref<640x128xf32, #tpu.memory_space<vmem_shared>>
      %dma_start3A_16 = arith.constant 0 : i32
      %dma_start3A_17 = tpu.memref_slice %arg5[%mul3A_2, %dma_start3A_16] : memref<10240x128xf32, #tpu.memory_space<hbm>> -> memref<640x128xf32, #tpu.memory_space<hbm>>
      tpu.enqueue_dma source(%dma_start3A_17 : memref<640x128xf32, #tpu.memory_space<hbm>>) target(%dma_start3A_15 : memref<640x128xf32, #tpu.memory_space<vmem_shared>>) target_semaphore(%run_scoped3A : memref<!tpu.dma_semaphore, #tpu.memory_space<semaphore_mem>>)
      %dma_wait3A = arith.constant 0 : i32
      %dma_wait3A_18 = tpu.memref_slice %arg10[%mul3A_4, %dma_wait3A] : memref<10240x128xf32, #tpu.memory_space<vmem_shared>> -> memref<640x128xf32, #tpu.memory_space<vmem_shared>>
      %dma_wait3A_19 = arith.constant 0 : i32
      %dma_wait3A_20 = tpu.memref_slice %arg5[%mul3A_2, %dma_wait3A_19] : memref<10240x128xf32, #tpu.memory_space<hbm>> -> memref<640x128xf32, #tpu.memory_space<hbm>>
      tpu.wait_dma2 semaphore(%run_scoped3A : memref<!tpu.dma_semaphore, #tpu.memory_space<semaphore_mem>>) src(%dma_wait3A_20 : memref<640x128xf32, #tpu.memory_space<hbm>>) dst(%dma_wait3A_18 : memref<640x128xf32, #tpu.memory_space<vmem_shared>>)
      tpu.yield
    }) : () -> ()
    "tpu.region"() ({
      %run_scoped3A = tpu.sem_alloc : memref<!tpu.dma_semaphore, #tpu.memory_space<semaphore_mem>>
      %dma_start3A = arith.constant 0 : i32
      %dma_start3A_15 = arith.constant 0 : i32
      %dma_start3A_16 = tpu.memref_slice %arg3[%add3A, %dma_start3A, %dma_start3A_15] : memref<32x100x100xi32, #tpu.memory_space<hbm>> -> memref<1x100x100xi32, #tpu.memory_space<hbm>>
      %dma_start3A_17 = tpu.memref_squeeze %dma_start3A_16 : memref<1x100x100xi32, #tpu.memory_space<hbm>> -> memref<100x100xi32, #tpu.memory_space<hbm>>
      %dma_start3A_18 = arith.constant 0 : i32
      %dma_start3A_19 = arith.constant 0 : i32
      %dma_start3A_20 = tpu.memref_slice %arg3[%add3A, %dma_start3A_18, %dma_start3A_19] : memref<32x100x100xi32, #tpu.memory_space<hbm>> -> memref<1x100x100xi32, #tpu.memory_space<hbm>>
      %dma_start3A_21 = tpu.memref_squeeze %dma_start3A_20 : memref<1x100x100xi32, #tpu.memory_space<hbm>> -> memref<100x100xi32, #tpu.memory_space<hbm>>
      tpu.enqueue_dma source(%dma_start3A_21 : memref<100x100xi32, #tpu.memory_space<hbm>>) target(%arg7 : memref<100x100xi32, #tpu.memory_space<vmem>>) target_semaphore(%run_scoped3A : memref<!tpu.dma_semaphore, #tpu.memory_space<semaphore_mem>>)
      %dma_wait3A = arith.constant 0 : i32
      %dma_wait3A_22 = arith.constant 0 : i32
      %dma_wait3A_23 = tpu.memref_slice %arg3[%add3A, %dma_wait3A, %dma_wait3A_22] : memref<32x100x100xi32, #tpu.memory_space<hbm>> -> memref<1x100x100xi32, #tpu.memory_space<hbm>>
      %dma_wait3A_24 = tpu.memref_squeeze %dma_wait3A_23 : memref<1x100x100xi32, #tpu.memory_space<hbm>> -> memref<100x100xi32, #tpu.memory_space<hbm>>
      %dma_wait3A_25 = arith.constant 0 : i32
      %dma_wait3A_26 = arith.constant 0 : i32
      %dma_wait3A_27 = tpu.memref_slice %arg3[%add3A, %dma_wait3A_25, %dma_wait3A_26] : memref<32x100x100xi32, #tpu.memory_space<hbm>> -> memref<1x100x100xi32, #tpu.memory_space<hbm>>
      %dma_wait3A_28 = tpu.memref_squeeze %dma_wait3A_27 : memref<1x100x100xi32, #tpu.memory_space<hbm>> -> memref<100x100xi32, #tpu.memory_space<hbm>>
      tpu.wait_dma2 semaphore(%run_scoped3A : memref<!tpu.dma_semaphore, #tpu.memory_space<semaphore_mem>>) src(%dma_wait3A_28 : memref<100x100xi32, #tpu.memory_space<hbm>>) dst(%arg7 : memref<100x100xi32, #tpu.memory_space<vmem>>)
      tpu.yield
    }) : () -> ()
    "tpu.region"() ({
      %run_scoped3A = tpu.sem_alloc : memref<!tpu.dma_semaphore, #tpu.memory_space<semaphore_mem>>
      %dma_start3A = arith.constant 0 : i32
      %dma_start3A_15 = arith.constant 0 : i32
      %dma_start3A_16 = tpu.memref_slice %arg4[%add3A, %dma_start3A, %dma_start3A_15] : memref<32x100x100xi32, #tpu.memory_space<hbm>> -> memref<1x100x100xi32, #tpu.memory_space<hbm>>
      %dma_start3A_17 = tpu.memref_squeeze %dma_start3A_16 : memref<1x100x100xi32, #tpu.memory_space<hbm>> -> memref<100x100xi32, #tpu.memory_space<hbm>>
      %dma_start3A_18 = arith.constant 0 : i32
      %dma_start3A_19 = arith.constant 0 : i32
      %dma_start3A_20 = tpu.memref_slice %arg4[%add3A, %dma_start3A_18, %dma_start3A_19] : memref<32x100x100xi32, #tpu.memory_space<hbm>> -> memref<1x100x100xi32, #tpu.memory_space<hbm>>
      %dma_start3A_21 = tpu.memref_squeeze %dma_start3A_20 : memref<1x100x100xi32, #tpu.memory_space<hbm>> -> memref<100x100xi32, #tpu.memory_space<hbm>>
      tpu.enqueue_dma source(%dma_start3A_21 : memref<100x100xi32, #tpu.memory_space<hbm>>) target(%arg8 : memref<100x100xi32, #tpu.memory_space<vmem>>) target_semaphore(%run_scoped3A : memref<!tpu.dma_semaphore, #tpu.memory_space<semaphore_mem>>)
      %dma_wait3A = arith.constant 0 : i32
      %dma_wait3A_22 = arith.constant 0 : i32
      %dma_wait3A_23 = tpu.memref_slice %arg4[%add3A, %dma_wait3A, %dma_wait3A_22] : memref<32x100x100xi32, #tpu.memory_space<hbm>> -> memref<1x100x100xi32, #tpu.memory_space<hbm>>
      %dma_wait3A_24 = tpu.memref_squeeze %dma_wait3A_23 : memref<1x100x100xi32, #tpu.memory_space<hbm>> -> memref<100x100xi32, #tpu.memory_space<hbm>>
      %dma_wait3A_25 = arith.constant 0 : i32
      %dma_wait3A_26 = arith.constant 0 : i32
      %dma_wait3A_27 = tpu.memref_slice %arg4[%add3A, %dma_wait3A_25, %dma_wait3A_26] : memref<32x100x100xi32, #tpu.memory_space<hbm>> -> memref<1x100x100xi32, #tpu.memory_space<hbm>>
      %dma_wait3A_28 = tpu.memref_squeeze %dma_wait3A_27 : memref<1x100x100xi32, #tpu.memory_space<hbm>> -> memref<100x100xi32, #tpu.memory_space<hbm>>
      tpu.wait_dma2 semaphore(%run_scoped3A : memref<!tpu.dma_semaphore, #tpu.memory_space<semaphore_mem>>) src(%dma_wait3A_28 : memref<100x100xi32, #tpu.memory_space<hbm>>) dst(%arg8 : memref<100x100xi32, #tpu.memory_space<vmem>>)
      tpu.yield
    }) : () -> ()
    %barrier3A = arith.constant 0 : index
    tpu.barrier barrier_id(%barrier3A)
    %scan3A = arith.constant 0 : i32
    %scan3A_5 = arith.constant 100 : i32
    %scan3A_6 = arith.addi %scan3A, %scan3A_5 : i32
    %scan3A_7 = arith.constant 1 : i32
    scf.for %scan3A_15 = %scan3A to %scan3A_6 step %scan3A_7  : i32 {
      %mul3A_16 = arith.constant 1 : i32
      %mul3A_17 = arith.muli %scan3A_15, %mul3A_16 : i32
      %add3A_18 = arith.constant 0 : i32
      %add3A_19 = arith.addi %add3A_18, %mul3A_17 : i32
      "tpu.region"() ({
        %run_scoped3A = tpu.sem_alloc : memref<!tpu.dma_semaphore, #tpu.memory_space<semaphore_mem>>
        %dma_start3A = arith.constant 0 : i32
        %dma_start3A_20 = tpu.memref_slice %arg7[%add3A_19, %dma_start3A] : memref<100x100xi32, #tpu.memory_space<vmem>> -> memref<1x100xi32, #tpu.memory_space<vmem>>
        %dma_start3A_21 = tpu.memref_squeeze %dma_start3A_20 : memref<1x100xi32, #tpu.memory_space<vmem>> -> memref<100xi32, #tpu.memory_space<vmem>>
        %dma_start3A_22 = arith.constant 0 : i32
        %dma_start3A_23 = arith.constant 0 : i32
        %dma_start3A_24 = tpu.memref_slice %arg2[%dma_start3A_22, %dma_start3A_23] : memref<10000x128xf32, #tpu.memory_space<hbm>> -> memref<10000x128xf32, #tpu.memory_space<hbm>>
        tpu.enqueue_indirect_dma source(%dma_start3A_24 : memref<10000x128xf32, #tpu.memory_space<hbm>>) target(%arg9 : memref<100x128xf32, #tpu.memory_space<vmem>>) offsets(%dma_start3A_21 : memref<100xi32, #tpu.memory_space<vmem>>) semaphore(%run_scoped3A : memref<!tpu.dma_semaphore, #tpu.memory_space<semaphore_mem>>)
        %dma_wait3A = arith.constant 0 : i32
        %dma_wait3A_25 = tpu.memref_slice %arg7[%add3A_19, %dma_wait3A] : memref<100x100xi32, #tpu.memory_space<vmem>> -> memref<1x100xi32, #tpu.memory_space<vmem>>
        %dma_wait3A_26 = tpu.memref_squeeze %dma_wait3A_25 : memref<1x100xi32, #tpu.memory_space<vmem>> -> memref<100xi32, #tpu.memory_space<vmem>>
        %dma_wait3A_27 = arith.constant 0 : i32
        %dma_wait3A_28 = arith.constant 0 : i32
        %dma_wait3A_29 = tpu.memref_slice %arg2[%dma_wait3A_27, %dma_wait3A_28] : memref<10000x128xf32, #tpu.memory_space<hbm>> -> memref<10000x128xf32, #tpu.memory_space<hbm>>
        tpu.wait_indirect_dma semaphore(%run_scoped3A : memref<!tpu.dma_semaphore, #tpu.memory_space<semaphore_mem>>) src(%dma_wait3A_29 : memref<10000x128xf32, #tpu.memory_space<hbm>>) dst(%arg9 : memref<100x128xf32, #tpu.memory_space<vmem>>)
        tpu.yield
      }) : () -> ()
      "tpu.region"() ({
        %run_scoped3A = tpu.sem_alloc : memref<!tpu.dma_semaphore, #tpu.memory_space<semaphore_mem>>
        %dma_start3A = arith.constant 0 : i32
        %dma_start3A_20 = tpu.memref_slice %arg8[%add3A_19, %dma_start3A] : memref<100x100xi32, #tpu.memory_space<vmem>> -> memref<1x100xi32, #tpu.memory_space<vmem>>
        %dma_start3A_21 = tpu.memref_squeeze %dma_start3A_20 : memref<1x100xi32, #tpu.memory_space<vmem>> -> memref<100xi32, #tpu.memory_space<vmem>>
        %dma_start3A_22 = arith.constant 0 : i32
        %dma_start3A_23 = arith.constant 0 : i32
        %dma_start3A_24 = tpu.memref_slice %arg10[%dma_start3A_22, %dma_start3A_23] : memref<10240x128xf32, #tpu.memory_space<vmem_shared>> -> memref<10240x128xf32, #tpu.memory_space<vmem_shared>>
        tpu.enqueue_indirect_dma source(%arg9 : memref<100x128xf32, #tpu.memory_space<vmem>>) target(%dma_start3A_24 : memref<10240x128xf32, #tpu.memory_space<vmem_shared>>) offsets(%dma_start3A_21 : memref<100xi32, #tpu.memory_space<vmem>>) semaphore(%run_scoped3A : memref<!tpu.dma_semaphore, #tpu.memory_space<semaphore_mem>>) {add = true}
        %dma_wait3A = arith.constant 0 : i32
        %dma_wait3A_25 = tpu.memref_slice %arg8[%add3A_19, %dma_wait3A] : memref<100x100xi32, #tpu.memory_space<vmem>> -> memref<1x100xi32, #tpu.memory_space<vmem>>
        %dma_wait3A_26 = tpu.memref_squeeze %dma_wait3A_25 : memref<1x100xi32, #tpu.memory_space<vmem>> -> memref<100xi32, #tpu.memory_space<vmem>>
        %dma_wait3A_27 = arith.constant 0 : i32
        %dma_wait3A_28 = arith.constant 0 : i32
        %dma_wait3A_29 = tpu.memref_slice %arg10[%dma_wait3A_27, %dma_wait3A_28] : memref<10240x128xf32, #tpu.memory_space<vmem_shared>> -> memref<10240x128xf32, #tpu.memory_space<vmem_shared>>
        tpu.wait_indirect_dma semaphore(%run_scoped3A : memref<!tpu.dma_semaphore, #tpu.memory_space<semaphore_mem>>) src(%arg9 : memref<100x128xf32, #tpu.memory_space<vmem>>) dst(%dma_wait3A_29 : memref<10240x128xf32, #tpu.memory_space<vmem_shared>>)
        tpu.yield
      }) : () -> ()
    }
    %scan3A_8 = arith.constant 100 : i32
    %barrier3A_9 = arith.constant 0 : index
    tpu.barrier barrier_id(%barrier3A_9)
    %barrier3A_10 = arith.constant 0 : index
    tpu.barrier barrier_id(%barrier3A_10)
    %mul3A_11 = arith.constant 640 : i32
    %mul3A_12 = arith.muli %arg1, %mul3A_11 : i32
    %mul3A_13 = arith.constant 640 : i32
    %mul3A_14 = arith.muli %arg1, %mul3A_13 : i32
    "tpu.region"() ({
      %run_scoped3A = tpu.sem_alloc : memref<!tpu.dma_semaphore, #tpu.memory_space<semaphore_mem>>
      %dma_start3A = arith.constant 0 : i32
      %dma_start3A_15 = tpu.memref_slice %arg6[%arg0, %mul3A_14, %dma_start3A] : memref<2x10240x128xf32, #tpu.memory_space<hbm>> -> memref<1x640x128xf32, #tpu.memory_space<hbm>>
      %dma_start3A_16 = tpu.memref_squeeze %dma_start3A_15 : memref<1x640x128xf32, #tpu.memory_space<hbm>> -> memref<640x128xf32, #tpu.memory_space<hbm>>
      %dma_start3A_17 = arith.constant 0 : i32
      %dma_start3A_18 = tpu.memref_slice %arg10[%mul3A_12, %dma_start3A_17] : memref<10240x128xf32, #tpu.memory_space<vmem_shared>> -> memref<640x128xf32, #tpu.memory_space<vmem_shared>>
      tpu.enqueue_dma source(%dma_start3A_18 : memref<640x128xf32, #tpu.memory_space<vmem_shared>>) target(%dma_start3A_16 : memref<640x128xf32, #tpu.memory_space<hbm>>) target_semaphore(%run_scoped3A : memref<!tpu.dma_semaphore, #tpu.memory_space<semaphore_mem>>)
      %dma_wait3A = arith.constant 0 : i32
      %dma_wait3A_19 = tpu.memref_slice %arg6[%arg0, %mul3A_14, %dma_wait3A] : memref<2x10240x128xf32, #tpu.memory_space<hbm>> -> memref<1x640x128xf32, #tpu.memory_space<hbm>>
      %dma_wait3A_20 = tpu.memref_squeeze %dma_wait3A_19 : memref<1x640x128xf32, #tpu.memory_space<hbm>> -> memref<640x128xf32, #tpu.memory_space<hbm>>
      %dma_wait3A_21 = arith.constant 0 : i32
      %dma_wait3A_22 = tpu.memref_slice %arg10[%mul3A_12, %dma_wait3A_21] : memref<10240x128xf32, #tpu.memory_space<vmem_shared>> -> memref<640x128xf32, #tpu.memory_space<vmem_shared>>
      tpu.wait_dma2 semaphore(%run_scoped3A : memref<!tpu.dma_semaphore, #tpu.memory_space<semaphore_mem>>) src(%dma_wait3A_22 : memref<640x128xf32, #tpu.memory_space<vmem_shared>>) dst(%dma_wait3A_20 : memref<640x128xf32, #tpu.memory_space<hbm>>)
      tpu.yield
    }) : () -> ()
    return
  }
}

#map = affine_map<(d0, d1) -> (0, 0, 0)>
#map1 = affine_map<(d0, d1) -> (0, 0)>
module attributes {stable_mosaic.version = 14 : i64} {
  func.func @sc_hist(%arg0: i32, %arg1: i32, %arg2: memref<32x100x100xi32, #tpu.memory_space<hbm>>, %arg3: memref<10240x128xf32, #tpu.memory_space<hbm>>, %arg4: memref<100x128xf32, #tpu.memory_space<hbm>>, %arg5: memref<2x10240x128xf32, #tpu.memory_space<hbm>>, %arg6: memref<100x100xi32, #tpu.memory_space<vmem>>, %arg7: memref<100x128xf32, #tpu.memory_space<vmem>>, %arg8: memref<10240x128xf32, #tpu.memory_space<vmem_shared>>) attributes {dimension_semantics = [#tpu.dimension_semantics<core_parallel>, #tpu.dimension_semantics<subcore_parallel>], iteration_bounds = array<i64: 2, 16>, scalar_prefetch = 0 : i64, scratch_operands = 3 : i64, tpu.core_type = #tpu.core_type<sc_vector_subcore>, window_params = [{transform_indices = #map}, {transform_indices = #map1}, {transform_indices = #map1}, {transform_indices = #map}]} {
    %mul3A = arith.constant 16 : i32
    %mul3A_0 = arith.muli %arg0, %mul3A : i32
    %add3A = arith.addi %mul3A_0, %arg1 : i32
    %mul3A_1 = arith.constant 640 : i32
    %mul3A_2 = arith.muli %arg1, %mul3A_1 : i32
    %mul3A_3 = arith.constant 640 : i32
    %mul3A_4 = arith.muli %arg1, %mul3A_3 : i32
    "tpu.region"() ({
      %run_scoped3A = tpu.sem_alloc : memref<!tpu.dma_semaphore, #tpu.memory_space<semaphore_mem>>
      %dma_start3A = arith.constant 0 : i32
      %dma_start3A_15 = tpu.memref_slice %arg8[%mul3A_4, %dma_start3A] : memref<10240x128xf32, #tpu.memory_space<vmem_shared>> -> memref<640x128xf32, #tpu.memory_space<vmem_shared>>
      %dma_start3A_16 = arith.constant 0 : i32
      %dma_start3A_17 = tpu.memref_slice %arg3[%mul3A_2, %dma_start3A_16] : memref<10240x128xf32, #tpu.memory_space<hbm>> -> memref<640x128xf32, #tpu.memory_space<hbm>>
      tpu.enqueue_dma source(%dma_start3A_17 : memref<640x128xf32, #tpu.memory_space<hbm>>) target(%dma_start3A_15 : memref<640x128xf32, #tpu.memory_space<vmem_shared>>) target_semaphore(%run_scoped3A : memref<!tpu.dma_semaphore, #tpu.memory_space<semaphore_mem>>)
      %dma_wait3A = arith.constant 0 : i32
      %dma_wait3A_18 = tpu.memref_slice %arg8[%mul3A_4, %dma_wait3A] : memref<10240x128xf32, #tpu.memory_space<vmem_shared>> -> memref<640x128xf32, #tpu.memory_space<vmem_shared>>
      %dma_wait3A_19 = arith.constant 0 : i32
      %dma_wait3A_20 = tpu.memref_slice %arg3[%mul3A_2, %dma_wait3A_19] : memref<10240x128xf32, #tpu.memory_space<hbm>> -> memref<640x128xf32, #tpu.memory_space<hbm>>
      tpu.wait_dma2 semaphore(%run_scoped3A : memref<!tpu.dma_semaphore, #tpu.memory_space<semaphore_mem>>) src(%dma_wait3A_20 : memref<640x128xf32, #tpu.memory_space<hbm>>) dst(%dma_wait3A_18 : memref<640x128xf32, #tpu.memory_space<vmem_shared>>)
      tpu.yield
    }) : () -> ()
    "tpu.region"() ({
      %run_scoped3A = tpu.sem_alloc : memref<!tpu.dma_semaphore, #tpu.memory_space<semaphore_mem>>
      %dma_start3A = arith.constant 0 : i32
      %dma_start3A_15 = arith.constant 0 : i32
      %dma_start3A_16 = tpu.memref_slice %arg2[%add3A, %dma_start3A, %dma_start3A_15] : memref<32x100x100xi32, #tpu.memory_space<hbm>> -> memref<1x100x100xi32, #tpu.memory_space<hbm>>
      %dma_start3A_17 = tpu.memref_squeeze %dma_start3A_16 : memref<1x100x100xi32, #tpu.memory_space<hbm>> -> memref<100x100xi32, #tpu.memory_space<hbm>>
      %dma_start3A_18 = arith.constant 0 : i32
      %dma_start3A_19 = arith.constant 0 : i32
      %dma_start3A_20 = tpu.memref_slice %arg2[%add3A, %dma_start3A_18, %dma_start3A_19] : memref<32x100x100xi32, #tpu.memory_space<hbm>> -> memref<1x100x100xi32, #tpu.memory_space<hbm>>
      %dma_start3A_21 = tpu.memref_squeeze %dma_start3A_20 : memref<1x100x100xi32, #tpu.memory_space<hbm>> -> memref<100x100xi32, #tpu.memory_space<hbm>>
      tpu.enqueue_dma source(%dma_start3A_21 : memref<100x100xi32, #tpu.memory_space<hbm>>) target(%arg6 : memref<100x100xi32, #tpu.memory_space<vmem>>) target_semaphore(%run_scoped3A : memref<!tpu.dma_semaphore, #tpu.memory_space<semaphore_mem>>)
      %dma_wait3A = arith.constant 0 : i32
      %dma_wait3A_22 = arith.constant 0 : i32
      %dma_wait3A_23 = tpu.memref_slice %arg2[%add3A, %dma_wait3A, %dma_wait3A_22] : memref<32x100x100xi32, #tpu.memory_space<hbm>> -> memref<1x100x100xi32, #tpu.memory_space<hbm>>
      %dma_wait3A_24 = tpu.memref_squeeze %dma_wait3A_23 : memref<1x100x100xi32, #tpu.memory_space<hbm>> -> memref<100x100xi32, #tpu.memory_space<hbm>>
      %dma_wait3A_25 = arith.constant 0 : i32
      %dma_wait3A_26 = arith.constant 0 : i32
      %dma_wait3A_27 = tpu.memref_slice %arg2[%add3A, %dma_wait3A_25, %dma_wait3A_26] : memref<32x100x100xi32, #tpu.memory_space<hbm>> -> memref<1x100x100xi32, #tpu.memory_space<hbm>>
      %dma_wait3A_28 = tpu.memref_squeeze %dma_wait3A_27 : memref<1x100x100xi32, #tpu.memory_space<hbm>> -> memref<100x100xi32, #tpu.memory_space<hbm>>
      tpu.wait_dma2 semaphore(%run_scoped3A : memref<!tpu.dma_semaphore, #tpu.memory_space<semaphore_mem>>) src(%dma_wait3A_28 : memref<100x100xi32, #tpu.memory_space<hbm>>) dst(%arg6 : memref<100x100xi32, #tpu.memory_space<vmem>>)
      tpu.yield
    }) : () -> ()
    "tpu.region"() ({
      %run_scoped3A = tpu.sem_alloc : memref<!tpu.dma_semaphore, #tpu.memory_space<semaphore_mem>>
      tpu.enqueue_dma source(%arg4 : memref<100x128xf32, #tpu.memory_space<hbm>>) target(%arg7 : memref<100x128xf32, #tpu.memory_space<vmem>>) target_semaphore(%run_scoped3A : memref<!tpu.dma_semaphore, #tpu.memory_space<semaphore_mem>>)
      tpu.wait_dma2 semaphore(%run_scoped3A : memref<!tpu.dma_semaphore, #tpu.memory_space<semaphore_mem>>) src(%arg4 : memref<100x128xf32, #tpu.memory_space<hbm>>) dst(%arg7 : memref<100x128xf32, #tpu.memory_space<vmem>>)
      tpu.yield
    }) : () -> ()
    %barrier3A = arith.constant 0 : index
    tpu.barrier barrier_id(%barrier3A)
    %scan3A = arith.constant 0 : i32
    %scan3A_5 = arith.constant 100 : i32
    %scan3A_6 = arith.addi %scan3A, %scan3A_5 : i32
    %scan3A_7 = arith.constant 1 : i32
    scf.for %scan3A_15 = %scan3A to %scan3A_6 step %scan3A_7  : i32 {
      %mul3A_16 = arith.constant 1 : i32
      %mul3A_17 = arith.muli %scan3A_15, %mul3A_16 : i32
      %add3A_18 = arith.constant 0 : i32
      %add3A_19 = arith.addi %add3A_18, %mul3A_17 : i32
      "tpu.region"() ({
        %run_scoped3A = tpu.sem_alloc : memref<!tpu.dma_semaphore, #tpu.memory_space<semaphore_mem>>
        %dma_start3A = arith.constant 0 : i32
        %dma_start3A_20 = tpu.memref_slice %arg6[%add3A_19, %dma_start3A] : memref<100x100xi32, #tpu.memory_space<vmem>> -> memref<1x100xi32, #tpu.memory_space<vmem>>
        %dma_start3A_21 = tpu.memref_squeeze %dma_start3A_20 : memref<1x100xi32, #tpu.memory_space<vmem>> -> memref<100xi32, #tpu.memory_space<vmem>>
        %dma_start3A_22 = arith.constant 0 : i32
        %dma_start3A_23 = arith.constant 0 : i32
        %dma_start3A_24 = tpu.memref_slice %arg8[%dma_start3A_22, %dma_start3A_23] : memref<10240x128xf32, #tpu.memory_space<vmem_shared>> -> memref<10240x128xf32, #tpu.memory_space<vmem_shared>>
        tpu.enqueue_indirect_dma source(%arg7 : memref<100x128xf32, #tpu.memory_space<vmem>>) target(%dma_start3A_24 : memref<10240x128xf32, #tpu.memory_space<vmem_shared>>) offsets(%dma_start3A_21 : memref<100xi32, #tpu.memory_space<vmem>>) semaphore(%run_scoped3A : memref<!tpu.dma_semaphore, #tpu.memory_space<semaphore_mem>>) {add = true}
        %dma_wait3A = arith.constant 0 : i32
        %dma_wait3A_25 = tpu.memref_slice %arg6[%add3A_19, %dma_wait3A] : memref<100x100xi32, #tpu.memory_space<vmem>> -> memref<1x100xi32, #tpu.memory_space<vmem>>
        %dma_wait3A_26 = tpu.memref_squeeze %dma_wait3A_25 : memref<1x100xi32, #tpu.memory_space<vmem>> -> memref<100xi32, #tpu.memory_space<vmem>>
        %dma_wait3A_27 = arith.constant 0 : i32
        %dma_wait3A_28 = arith.constant 0 : i32
        %dma_wait3A_29 = tpu.memref_slice %arg8[%dma_wait3A_27, %dma_wait3A_28] : memref<10240x128xf32, #tpu.memory_space<vmem_shared>> -> memref<10240x128xf32, #tpu.memory_space<vmem_shared>>
        tpu.wait_indirect_dma semaphore(%run_scoped3A : memref<!tpu.dma_semaphore, #tpu.memory_space<semaphore_mem>>) src(%arg7 : memref<100x128xf32, #tpu.memory_space<vmem>>) dst(%dma_wait3A_29 : memref<10240x128xf32, #tpu.memory_space<vmem_shared>>)
        tpu.yield
      }) : () -> ()
    }
    %scan3A_8 = arith.constant 100 : i32
    %barrier3A_9 = arith.constant 0 : index
    tpu.barrier barrier_id(%barrier3A_9)
    %barrier3A_10 = arith.constant 0 : index
    tpu.barrier barrier_id(%barrier3A_10)
    %mul3A_11 = arith.constant 640 : i32
    %mul3A_12 = arith.muli %arg1, %mul3A_11 : i32
    %mul3A_13 = arith.constant 640 : i32
    %mul3A_14 = arith.muli %arg1, %mul3A_13 : i32
    "tpu.region"() ({
      %run_scoped3A = tpu.sem_alloc : memref<!tpu.dma_semaphore, #tpu.memory_space<semaphore_mem>>
      %dma_start3A = arith.constant 0 : i32
      %dma_start3A_15 = tpu.memref_slice %arg5[%arg0, %mul3A_14, %dma_start3A] : memref<2x10240x128xf32, #tpu.memory_space<hbm>> -> memref<1x640x128xf32, #tpu.memory_space<hbm>>
      %dma_start3A_16 = tpu.memref_squeeze %dma_start3A_15 : memref<1x640x128xf32, #tpu.memory_space<hbm>> -> memref<640x128xf32, #tpu.memory_space<hbm>>
      %dma_start3A_17 = arith.constant 0 : i32
      %dma_start3A_18 = tpu.memref_slice %arg8[%mul3A_12, %dma_start3A_17] : memref<10240x128xf32, #tpu.memory_space<vmem_shared>> -> memref<640x128xf32, #tpu.memory_space<vmem_shared>>
      tpu.enqueue_dma source(%dma_start3A_18 : memref<640x128xf32, #tpu.memory_space<vmem_shared>>) target(%dma_start3A_16 : memref<640x128xf32, #tpu.memory_space<hbm>>) target_semaphore(%run_scoped3A : memref<!tpu.dma_semaphore, #tpu.memory_space<semaphore_mem>>)
      %dma_wait3A = arith.constant 0 : i32
      %dma_wait3A_19 = tpu.memref_slice %arg5[%arg0, %mul3A_14, %dma_wait3A] : memref<2x10240x128xf32, #tpu.memory_space<hbm>> -> memref<1x640x128xf32, #tpu.memory_space<hbm>>
      %dma_wait3A_20 = tpu.memref_squeeze %dma_wait3A_19 : memref<1x640x128xf32, #tpu.memory_space<hbm>> -> memref<640x128xf32, #tpu.memory_space<hbm>>
      %dma_wait3A_21 = arith.constant 0 : i32
      %dma_wait3A_22 = tpu.memref_slice %arg8[%mul3A_12, %dma_wait3A_21] : memref<10240x128xf32, #tpu.memory_space<vmem_shared>> -> memref<640x128xf32, #tpu.memory_space<vmem_shared>>
      tpu.wait_dma2 semaphore(%run_scoped3A : memref<!tpu.dma_semaphore, #tpu.memory_space<semaphore_mem>>) src(%dma_wait3A_22 : memref<640x128xf32, #tpu.memory_space<vmem_shared>>) dst(%dma_wait3A_20 : memref<640x128xf32, #tpu.memory_space<hbm>>)
      tpu.yield
    }) : () -> ()
    return
  }
}

#map = affine_map<(d0, d1) -> (0, 0)>
#map1 = affine_map<(d0, d1) -> (0, 0, 0)>
module attributes {stable_mosaic.version = 14 : i64} {
  func.func @sc_conv(%arg0: i32, %arg1: i32, %arg2: memref<10000x128xf32, #tpu.memory_space<hbm>>, %arg3: memref<32x100x100xi32, #tpu.memory_space<hbm>>, %arg4: memref<32x100x100xi32, #tpu.memory_space<hbm>>, %arg5: memref<10240x128xf32, #tpu.memory_space<hbm>>, %arg6: memref<2x10240x128xf32, #tpu.memory_space<hbm>>, %arg7: memref<100x100xi32, #tpu.memory_space<vmem>>, %arg8: memref<100x100xi32, #tpu.memory_space<vmem>>, %arg9: memref<100x128xf32, #tpu.memory_space<vmem>>, %arg10: memref<10240x128xf32, #tpu.memory_space<vmem_shared>>) attributes {dimension_semantics = [#tpu.dimension_semantics<core_parallel>, #tpu.dimension_semantics<subcore_parallel>], iteration_bounds = array<i64: 2, 16>, scalar_prefetch = 0 : i64, scratch_operands = 4 : i64, tpu.core_type = #tpu.core_type<sc_vector_subcore>, window_params = [{transform_indices = #map}, {transform_indices = #map1}, {transform_indices = #map1}, {transform_indices = #map}, {transform_indices = #map1}]} {
    %mul3A = arith.constant 16 : i32
    %mul3A_0 = arith.muli %arg0, %mul3A : i32
    %add3A = arith.addi %mul3A_0, %arg1 : i32
    %mul3A_1 = arith.constant 640 : i32
    %mul3A_2 = arith.muli %arg1, %mul3A_1 : i32
    %mul3A_3 = arith.constant 640 : i32
    %mul3A_4 = arith.muli %arg1, %mul3A_3 : i32
    "tpu.region"() ({
      %run_scoped3A = tpu.sem_alloc : memref<!tpu.dma_semaphore, #tpu.memory_space<semaphore_mem>>
      %dma_start3A = arith.constant 0 : i32
      %dma_start3A_15 = tpu.memref_slice %arg10[%mul3A_4, %dma_start3A] : memref<10240x128xf32, #tpu.memory_space<vmem_shared>> -> memref<640x128xf32, #tpu.memory_space<vmem_shared>>
      %dma_start3A_16 = arith.constant 0 : i32
      %dma_start3A_17 = tpu.memref_slice %arg5[%mul3A_2, %dma_start3A_16] : memref<10240x128xf32, #tpu.memory_space<hbm>> -> memref<640x128xf32, #tpu.memory_space<hbm>>
      tpu.enqueue_dma source(%dma_start3A_17 : memref<640x128xf32, #tpu.memory_space<hbm>>) target(%dma_start3A_15 : memref<640x128xf32, #tpu.memory_space<vmem_shared>>) target_semaphore(%run_scoped3A : memref<!tpu.dma_semaphore, #tpu.memory_space<semaphore_mem>>)
      %dma_wait3A = arith.constant 0 : i32
      %dma_wait3A_18 = tpu.memref_slice %arg10[%mul3A_4, %dma_wait3A] : memref<10240x128xf32, #tpu.memory_space<vmem_shared>> -> memref<640x128xf32, #tpu.memory_space<vmem_shared>>
      %dma_wait3A_19 = arith.constant 0 : i32
      %dma_wait3A_20 = tpu.memref_slice %arg5[%mul3A_2, %dma_wait3A_19] : memref<10240x128xf32, #tpu.memory_space<hbm>> -> memref<640x128xf32, #tpu.memory_space<hbm>>
      tpu.wait_dma2 semaphore(%run_scoped3A : memref<!tpu.dma_semaphore, #tpu.memory_space<semaphore_mem>>) src(%dma_wait3A_20 : memref<640x128xf32, #tpu.memory_space<hbm>>) dst(%dma_wait3A_18 : memref<640x128xf32, #tpu.memory_space<vmem_shared>>)
      tpu.yield
    }) : () -> ()
    "tpu.region"() ({
      %run_scoped3A = tpu.sem_alloc : memref<!tpu.dma_semaphore, #tpu.memory_space<semaphore_mem>>
      %dma_start3A = arith.constant 0 : i32
      %dma_start3A_15 = arith.constant 0 : i32
      %dma_start3A_16 = tpu.memref_slice %arg3[%add3A, %dma_start3A, %dma_start3A_15] : memref<32x100x100xi32, #tpu.memory_space<hbm>> -> memref<1x100x100xi32, #tpu.memory_space<hbm>>
      %dma_start3A_17 = tpu.memref_squeeze %dma_start3A_16 : memref<1x100x100xi32, #tpu.memory_space<hbm>> -> memref<100x100xi32, #tpu.memory_space<hbm>>
      %dma_start3A_18 = arith.constant 0 : i32
      %dma_start3A_19 = arith.constant 0 : i32
      %dma_start3A_20 = tpu.memref_slice %arg3[%add3A, %dma_start3A_18, %dma_start3A_19] : memref<32x100x100xi32, #tpu.memory_space<hbm>> -> memref<1x100x100xi32, #tpu.memory_space<hbm>>
      %dma_start3A_21 = tpu.memref_squeeze %dma_start3A_20 : memref<1x100x100xi32, #tpu.memory_space<hbm>> -> memref<100x100xi32, #tpu.memory_space<hbm>>
      tpu.enqueue_dma source(%dma_start3A_21 : memref<100x100xi32, #tpu.memory_space<hbm>>) target(%arg7 : memref<100x100xi32, #tpu.memory_space<vmem>>) target_semaphore(%run_scoped3A : memref<!tpu.dma_semaphore, #tpu.memory_space<semaphore_mem>>)
      %dma_wait3A = arith.constant 0 : i32
      %dma_wait3A_22 = arith.constant 0 : i32
      %dma_wait3A_23 = tpu.memref_slice %arg3[%add3A, %dma_wait3A, %dma_wait3A_22] : memref<32x100x100xi32, #tpu.memory_space<hbm>> -> memref<1x100x100xi32, #tpu.memory_space<hbm>>
      %dma_wait3A_24 = tpu.memref_squeeze %dma_wait3A_23 : memref<1x100x100xi32, #tpu.memory_space<hbm>> -> memref<100x100xi32, #tpu.memory_space<hbm>>
      %dma_wait3A_25 = arith.constant 0 : i32
      %dma_wait3A_26 = arith.constant 0 : i32
      %dma_wait3A_27 = tpu.memref_slice %arg3[%add3A, %dma_wait3A_25, %dma_wait3A_26] : memref<32x100x100xi32, #tpu.memory_space<hbm>> -> memref<1x100x100xi32, #tpu.memory_space<hbm>>
      %dma_wait3A_28 = tpu.memref_squeeze %dma_wait3A_27 : memref<1x100x100xi32, #tpu.memory_space<hbm>> -> memref<100x100xi32, #tpu.memory_space<hbm>>
      tpu.wait_dma2 semaphore(%run_scoped3A : memref<!tpu.dma_semaphore, #tpu.memory_space<semaphore_mem>>) src(%dma_wait3A_28 : memref<100x100xi32, #tpu.memory_space<hbm>>) dst(%arg7 : memref<100x100xi32, #tpu.memory_space<vmem>>)
      tpu.yield
    }) : () -> ()
    "tpu.region"() ({
      %run_scoped3A = tpu.sem_alloc : memref<!tpu.dma_semaphore, #tpu.memory_space<semaphore_mem>>
      %dma_start3A = arith.constant 0 : i32
      %dma_start3A_15 = arith.constant 0 : i32
      %dma_start3A_16 = tpu.memref_slice %arg4[%add3A, %dma_start3A, %dma_start3A_15] : memref<32x100x100xi32, #tpu.memory_space<hbm>> -> memref<1x100x100xi32, #tpu.memory_space<hbm>>
      %dma_start3A_17 = tpu.memref_squeeze %dma_start3A_16 : memref<1x100x100xi32, #tpu.memory_space<hbm>> -> memref<100x100xi32, #tpu.memory_space<hbm>>
      %dma_start3A_18 = arith.constant 0 : i32
      %dma_start3A_19 = arith.constant 0 : i32
      %dma_start3A_20 = tpu.memref_slice %arg4[%add3A, %dma_start3A_18, %dma_start3A_19] : memref<32x100x100xi32, #tpu.memory_space<hbm>> -> memref<1x100x100xi32, #tpu.memory_space<hbm>>
      %dma_start3A_21 = tpu.memref_squeeze %dma_start3A_20 : memref<1x100x100xi32, #tpu.memory_space<hbm>> -> memref<100x100xi32, #tpu.memory_space<hbm>>
      tpu.enqueue_dma source(%dma_start3A_21 : memref<100x100xi32, #tpu.memory_space<hbm>>) target(%arg8 : memref<100x100xi32, #tpu.memory_space<vmem>>) target_semaphore(%run_scoped3A : memref<!tpu.dma_semaphore, #tpu.memory_space<semaphore_mem>>)
      %dma_wait3A = arith.constant 0 : i32
      %dma_wait3A_22 = arith.constant 0 : i32
      %dma_wait3A_23 = tpu.memref_slice %arg4[%add3A, %dma_wait3A, %dma_wait3A_22] : memref<32x100x100xi32, #tpu.memory_space<hbm>> -> memref<1x100x100xi32, #tpu.memory_space<hbm>>
      %dma_wait3A_24 = tpu.memref_squeeze %dma_wait3A_23 : memref<1x100x100xi32, #tpu.memory_space<hbm>> -> memref<100x100xi32, #tpu.memory_space<hbm>>
      %dma_wait3A_25 = arith.constant 0 : i32
      %dma_wait3A_26 = arith.constant 0 : i32
      %dma_wait3A_27 = tpu.memref_slice %arg4[%add3A, %dma_wait3A_25, %dma_wait3A_26] : memref<32x100x100xi32, #tpu.memory_space<hbm>> -> memref<1x100x100xi32, #tpu.memory_space<hbm>>
      %dma_wait3A_28 = tpu.memref_squeeze %dma_wait3A_27 : memref<1x100x100xi32, #tpu.memory_space<hbm>> -> memref<100x100xi32, #tpu.memory_space<hbm>>
      tpu.wait_dma2 semaphore(%run_scoped3A : memref<!tpu.dma_semaphore, #tpu.memory_space<semaphore_mem>>) src(%dma_wait3A_28 : memref<100x100xi32, #tpu.memory_space<hbm>>) dst(%arg8 : memref<100x100xi32, #tpu.memory_space<vmem>>)
      tpu.yield
    }) : () -> ()
    %barrier3A = arith.constant 0 : index
    tpu.barrier barrier_id(%barrier3A)
    %scan3A = arith.constant 0 : i32
    %scan3A_5 = arith.constant 100 : i32
    %scan3A_6 = arith.addi %scan3A, %scan3A_5 : i32
    %scan3A_7 = arith.constant 1 : i32
    scf.for %scan3A_15 = %scan3A to %scan3A_6 step %scan3A_7  : i32 {
      %mul3A_16 = arith.constant 1 : i32
      %mul3A_17 = arith.muli %scan3A_15, %mul3A_16 : i32
      %add3A_18 = arith.constant 0 : i32
      %add3A_19 = arith.addi %add3A_18, %mul3A_17 : i32
      "tpu.region"() ({
        %run_scoped3A = tpu.sem_alloc : memref<!tpu.dma_semaphore, #tpu.memory_space<semaphore_mem>>
        %dma_start3A = arith.constant 0 : i32
        %dma_start3A_20 = tpu.memref_slice %arg7[%add3A_19, %dma_start3A] : memref<100x100xi32, #tpu.memory_space<vmem>> -> memref<1x100xi32, #tpu.memory_space<vmem>>
        %dma_start3A_21 = tpu.memref_squeeze %dma_start3A_20 : memref<1x100xi32, #tpu.memory_space<vmem>> -> memref<100xi32, #tpu.memory_space<vmem>>
        %dma_start3A_22 = arith.constant 0 : i32
        %dma_start3A_23 = arith.constant 0 : i32
        %dma_start3A_24 = tpu.memref_slice %arg2[%dma_start3A_22, %dma_start3A_23] : memref<10000x128xf32, #tpu.memory_space<hbm>> -> memref<10000x128xf32, #tpu.memory_space<hbm>>
        tpu.enqueue_indirect_dma source(%dma_start3A_24 : memref<10000x128xf32, #tpu.memory_space<hbm>>) target(%arg9 : memref<100x128xf32, #tpu.memory_space<vmem>>) offsets(%dma_start3A_21 : memref<100xi32, #tpu.memory_space<vmem>>) semaphore(%run_scoped3A : memref<!tpu.dma_semaphore, #tpu.memory_space<semaphore_mem>>)
        %dma_wait3A = arith.constant 0 : i32
        %dma_wait3A_25 = tpu.memref_slice %arg7[%add3A_19, %dma_wait3A] : memref<100x100xi32, #tpu.memory_space<vmem>> -> memref<1x100xi32, #tpu.memory_space<vmem>>
        %dma_wait3A_26 = tpu.memref_squeeze %dma_wait3A_25 : memref<1x100xi32, #tpu.memory_space<vmem>> -> memref<100xi32, #tpu.memory_space<vmem>>
        %dma_wait3A_27 = arith.constant 0 : i32
        %dma_wait3A_28 = arith.constant 0 : i32
        %dma_wait3A_29 = tpu.memref_slice %arg2[%dma_wait3A_27, %dma_wait3A_28] : memref<10000x128xf32, #tpu.memory_space<hbm>> -> memref<10000x128xf32, #tpu.memory_space<hbm>>
        tpu.wait_indirect_dma semaphore(%run_scoped3A : memref<!tpu.dma_semaphore, #tpu.memory_space<semaphore_mem>>) src(%dma_wait3A_29 : memref<10000x128xf32, #tpu.memory_space<hbm>>) dst(%arg9 : memref<100x128xf32, #tpu.memory_space<vmem>>)
        tpu.yield
      }) : () -> ()
      "tpu.region"() ({
        %run_scoped3A = tpu.sem_alloc : memref<!tpu.dma_semaphore, #tpu.memory_space<semaphore_mem>>
        %dma_start3A = arith.constant 0 : i32
        %dma_start3A_20 = tpu.memref_slice %arg8[%add3A_19, %dma_start3A] : memref<100x100xi32, #tpu.memory_space<vmem>> -> memref<1x100xi32, #tpu.memory_space<vmem>>
        %dma_start3A_21 = tpu.memref_squeeze %dma_start3A_20 : memref<1x100xi32, #tpu.memory_space<vmem>> -> memref<100xi32, #tpu.memory_space<vmem>>
        %dma_start3A_22 = arith.constant 0 : i32
        %dma_start3A_23 = arith.constant 0 : i32
        %dma_start3A_24 = tpu.memref_slice %arg10[%dma_start3A_22, %dma_start3A_23] : memref<10240x128xf32, #tpu.memory_space<vmem_shared>> -> memref<10240x128xf32, #tpu.memory_space<vmem_shared>>
        tpu.enqueue_indirect_dma source(%arg9 : memref<100x128xf32, #tpu.memory_space<vmem>>) target(%dma_start3A_24 : memref<10240x128xf32, #tpu.memory_space<vmem_shared>>) offsets(%dma_start3A_21 : memref<100xi32, #tpu.memory_space<vmem>>) semaphore(%run_scoped3A : memref<!tpu.dma_semaphore, #tpu.memory_space<semaphore_mem>>) {add = true}
        %dma_wait3A = arith.constant 0 : i32
        %dma_wait3A_25 = tpu.memref_slice %arg8[%add3A_19, %dma_wait3A] : memref<100x100xi32, #tpu.memory_space<vmem>> -> memref<1x100xi32, #tpu.memory_space<vmem>>
        %dma_wait3A_26 = tpu.memref_squeeze %dma_wait3A_25 : memref<1x100xi32, #tpu.memory_space<vmem>> -> memref<100xi32, #tpu.memory_space<vmem>>
        %dma_wait3A_27 = arith.constant 0 : i32
        %dma_wait3A_28 = arith.constant 0 : i32
        %dma_wait3A_29 = tpu.memref_slice %arg10[%dma_wait3A_27, %dma_wait3A_28] : memref<10240x128xf32, #tpu.memory_space<vmem_shared>> -> memref<10240x128xf32, #tpu.memory_space<vmem_shared>>
        tpu.wait_indirect_dma semaphore(%run_scoped3A : memref<!tpu.dma_semaphore, #tpu.memory_space<semaphore_mem>>) src(%arg9 : memref<100x128xf32, #tpu.memory_space<vmem>>) dst(%dma_wait3A_29 : memref<10240x128xf32, #tpu.memory_space<vmem_shared>>)
        tpu.yield
      }) : () -> ()
    }
    %scan3A_8 = arith.constant 100 : i32
    %barrier3A_9 = arith.constant 0 : index
    tpu.barrier barrier_id(%barrier3A_9)
    %barrier3A_10 = arith.constant 0 : index
    tpu.barrier barrier_id(%barrier3A_10)
    %mul3A_11 = arith.constant 640 : i32
    %mul3A_12 = arith.muli %arg1, %mul3A_11 : i32
    %mul3A_13 = arith.constant 640 : i32
    %mul3A_14 = arith.muli %arg1, %mul3A_13 : i32
    "tpu.region"() ({
      %run_scoped3A = tpu.sem_alloc : memref<!tpu.dma_semaphore, #tpu.memory_space<semaphore_mem>>
      %dma_start3A = arith.constant 0 : i32
      %dma_start3A_15 = tpu.memref_slice %arg6[%arg0, %mul3A_14, %dma_start3A] : memref<2x10240x128xf32, #tpu.memory_space<hbm>> -> memref<1x640x128xf32, #tpu.memory_space<hbm>>
      %dma_start3A_16 = tpu.memref_squeeze %dma_start3A_15 : memref<1x640x128xf32, #tpu.memory_space<hbm>> -> memref<640x128xf32, #tpu.memory_space<hbm>>
      %dma_start3A_17 = arith.constant 0 : i32
      %dma_start3A_18 = tpu.memref_slice %arg10[%mul3A_12, %dma_start3A_17] : memref<10240x128xf32, #tpu.memory_space<vmem_shared>> -> memref<640x128xf32, #tpu.memory_space<vmem_shared>>
      tpu.enqueue_dma source(%dma_start3A_18 : memref<640x128xf32, #tpu.memory_space<vmem_shared>>) target(%dma_start3A_16 : memref<640x128xf32, #tpu.memory_space<hbm>>) target_semaphore(%run_scoped3A : memref<!tpu.dma_semaphore, #tpu.memory_space<semaphore_mem>>)
      %dma_wait3A = arith.constant 0 : i32
      %dma_wait3A_19 = tpu.memref_slice %arg6[%arg0, %mul3A_14, %dma_wait3A] : memref<2x10240x128xf32, #tpu.memory_space<hbm>> -> memref<1x640x128xf32, #tpu.memory_space<hbm>>
      %dma_wait3A_20 = tpu.memref_squeeze %dma_wait3A_19 : memref<1x640x128xf32, #tpu.memory_space<hbm>> -> memref<640x128xf32, #tpu.memory_space<hbm>>
      %dma_wait3A_21 = arith.constant 0 : i32
      %dma_wait3A_22 = tpu.memref_slice %arg10[%mul3A_12, %dma_wait3A_21] : memref<10240x128xf32, #tpu.memory_space<vmem_shared>> -> memref<640x128xf32, #tpu.memory_space<vmem_shared>>
      tpu.wait_dma2 semaphore(%run_scoped3A : memref<!tpu.dma_semaphore, #tpu.memory_space<semaphore_mem>>) src(%dma_wait3A_22 : memref<640x128xf32, #tpu.memory_space<vmem_shared>>) dst(%dma_wait3A_20 : memref<640x128xf32, #tpu.memory_space<hbm>>)
      tpu.yield
    }) : () -> ()
    return
  }
}

module attributes {stable_mosaic.version = 14 : i64} {
  func.func @_tc_g1_body(%arg0: memref<2x10240x128xf32, #tpu.memory_space<vmem>>, %arg1: memref<10000x128xf32, #tpu.memory_space<vmem>>, %arg2: memref<10000x128xf32, #tpu.memory_space<vmem>>, %arg3: memref<10000x1xf32, #tpu.memory_space<vmem>>) attributes {dimension_semantics = [], scalar_prefetch = 0 : i64, scratch_operands = 0 : i64, tpu.core_type = #tpu.core_type<tc>} {
    %get3A = arith.constant 0 : index
    %get3A_0 = arith.constant 0 : index
    %get3A_1 = arith.constant 0 : index
    %get3A_2 = vector.load %arg0[%get3A, %get3A_0, %get3A_1] : memref<2x10240x128xf32, #tpu.memory_space<vmem>>, vector<1x10000x1xf32>
    %get3A_3 = vector.shape_cast %get3A_2 : vector<1x10000x1xf32> to vector<10000x1xf32>
    %get3A_4 = arith.constant 1 : index
    %get3A_5 = arith.constant 0 : index
    %get3A_6 = arith.constant 0 : index
    %get3A_7 = vector.load %arg0[%get3A_4, %get3A_5, %get3A_6] : memref<2x10240x128xf32, #tpu.memory_space<vmem>>, vector<1x10000x1xf32>
    %get3A_8 = vector.shape_cast %get3A_7 : vector<1x10000x1xf32> to vector<10000x1xf32>
    %add3A = arith.addf %get3A_3, %get3A_8 : vector<10000x1xf32>
    %add3A_9 = arith.constant 1.000000e+00 : f32
    %add3A_10 = vector.broadcast %add3A_9 : f32 to vector<10000x1xf32>
    %add3A_11 = arith.addf %add3A, %add3A_10 : vector<10000x1xf32>
    %rsqrt3A = math.rsqrt %add3A_11 : vector<10000x1xf32>
    %swap3A = arith.constant 0 : index
    %swap3A_12 = arith.constant 0 : index
    %swap3A_13 = vector.load %arg3[%swap3A, %swap3A_12] : memref<10000x1xf32, #tpu.memory_space<vmem>>, vector<10000x1xf32>
    tpu.vector_store %arg3[%swap3A, %swap3A_12], %rsqrt3A {strides = array<i32>} : memref<10000x1xf32, #tpu.memory_space<vmem>>, vector<10000x1xf32>,
    %get3A_14 = arith.constant 0 : index
    %get3A_15 = arith.constant 0 : index
    %get3A_16 = vector.load %arg1[%get3A_14, %get3A_15] : memref<10000x128xf32, #tpu.memory_space<vmem>>, vector<10000x128xf32>
    %mul3A = vector.broadcast %rsqrt3A : vector<10000x1xf32> to vector<10000x128xf32>
    %mul3A_17 = arith.mulf %get3A_16, %mul3A : vector<10000x128xf32>
    %swap3A_18 = arith.constant 0 : index
    %swap3A_19 = arith.constant 0 : index
    %swap3A_20 = vector.load %arg2[%swap3A_18, %swap3A_19] : memref<10000x128xf32, #tpu.memory_space<vmem>>, vector<10000x128xf32>
    tpu.vector_store %arg2[%swap3A_18, %swap3A_19], %mul3A_17 {strides = array<i32>} : memref<10000x128xf32, #tpu.memory_space<vmem>>, vector<10000x128xf32>,
    return
  }
}

module attributes {stable_mosaic.version = 14 : i64} {
  func.func @_tc_mm1_body(%arg0: memref<10000x128xf32, #tpu.memory_space<vmem>>, %arg1: memref<128x128xf32, #tpu.memory_space<vmem>>, %arg2: memref<1x128xf32, #tpu.memory_space<vmem>>, %arg3: memref<128x128xf32, #tpu.memory_space<vmem>>, %arg4: memref<10000x128xf32, #tpu.memory_space<vmem>>) attributes {dimension_semantics = [], scalar_prefetch = 0 : i64, scratch_operands = 0 : i64, tpu.core_type = #tpu.core_type<tc>} {
    %get3A = arith.constant 0 : index
    %get3A_0 = arith.constant 0 : index
    %get3A_1 = vector.load %arg1[%get3A, %get3A_0] : memref<128x128xf32, #tpu.memory_space<vmem>>, vector<128x128xf32>
    %get3A_2 = arith.constant 0 : index
    %get3A_3 = arith.constant 0 : index
    %get3A_4 = vector.load %arg3[%get3A_2, %get3A_3] : memref<128x128xf32, #tpu.memory_space<vmem>>, vector<128x128xf32>
    %dot_general3A = arith.constant dense<0.000000e+00> : vector<128x128xf32>
    %dot_general3A_5 = tpu.matmul %get3A_1, %get3A_4, %dot_general3A {dimension_numbers = #tpu.dot_dimension_numbers<[1], [0], [0], [1], [0, 0, 1, 1], [], []>, transpose_lhs_hint = false} : vector<128x128xf32>, vector<128x128xf32>, vector<128x128xf32> -> vector<128x128xf32>
    %get3A_6 = arith.constant 0 : index
    %get3A_7 = arith.constant 0 : index
    %get3A_8 = vector.load %arg2[%get3A_6, %get3A_7] : memref<1x128xf32, #tpu.memory_space<vmem>>, vector<1x128xf32>
    %get3A_9 = arith.constant 0 : index
    %get3A_10 = arith.constant 0 : index
    %get3A_11 = vector.load %arg3[%get3A_9, %get3A_10] : memref<128x128xf32, #tpu.memory_space<vmem>>, vector<128x128xf32>
    %dot_general3A_12 = arith.constant dense<0.000000e+00> : vector<1x128xf32>
    %dot_general3A_13 = tpu.matmul %get3A_8, %get3A_11, %dot_general3A_12 {dimension_numbers = #tpu.dot_dimension_numbers<[1], [0], [0], [1], [0, 0, 1, 1], [], []>, transpose_lhs_hint = false} : vector<1x128xf32>, vector<128x128xf32>, vector<1x128xf32> -> vector<1x128xf32>
    %get3A_14 = arith.constant 0 : index
    %get3A_15 = arith.constant 0 : index
    %get3A_16 = vector.load %arg0[%get3A_14, %get3A_15] : memref<10000x128xf32, #tpu.memory_space<vmem>>, vector<10000x128xf32>
    %dot_general3A_17 = arith.constant dense<0.000000e+00> : vector<10000x128xf32>
    %dot_general3A_18 = tpu.matmul %get3A_16, %dot_general3A_5, %dot_general3A_17 {dimension_numbers = #tpu.dot_dimension_numbers<[1], [0], [0], [1], [0, 0, 1, 1], [], []>, transpose_lhs_hint = false} : vector<10000x128xf32>, vector<128x128xf32>, vector<10000x128xf32> -> vector<10000x128xf32>
    %add3A = vector.broadcast %dot_general3A_13 : vector<1x128xf32> to vector<10000x128xf32>
    %add3A_19 = arith.addf %dot_general3A_18, %add3A : vector<10000x128xf32>
    %swap3A = arith.constant 0 : index
    %swap3A_20 = arith.constant 0 : index
    %swap3A_21 = vector.load %arg4[%swap3A, %swap3A_20] : memref<10000x128xf32, #tpu.memory_space<vmem>>, vector<10000x128xf32>
    tpu.vector_store %arg4[%swap3A, %swap3A_20], %add3A_19 {strides = array<i32>} : memref<10000x128xf32, #tpu.memory_space<vmem>>, vector<10000x128xf32>,
    return
  }
}

module attributes {stable_mosaic.version = 14 : i64} {
  func.func @_tc_mid_body(%arg0: memref<2x10240x128xf32, #tpu.memory_space<vmem>>, %arg1: memref<10000x128xf32, #tpu.memory_space<vmem>>, %arg2: memref<10000x1xf32, #tpu.memory_space<vmem>>, %arg3: memref<1x128xf32, #tpu.memory_space<vmem>>, %arg4: memref<1x128xf32, #tpu.memory_space<vmem>>, %arg5: memref<1x128xf32, #tpu.memory_space<vmem>>, %arg6: memref<128x128xf32, #tpu.memory_space<vmem>>, %arg7: memref<10000x128xf32, #tpu.memory_space<vmem>>) attributes {dimension_semantics = [], scalar_prefetch = 0 : i64, scratch_operands = 0 : i64, tpu.core_type = #tpu.core_type<tc>} {
    %get3A = arith.constant 0 : index
    %get3A_0 = arith.constant 0 : index
    %get3A_1 = vector.load %arg2[%get3A, %get3A_0] : memref<10000x1xf32, #tpu.memory_space<vmem>>, vector<10000x1xf32>
    %get3A_2 = arith.constant 0 : index
    %get3A_3 = arith.constant 0 : index
    %get3A_4 = arith.constant 0 : index
    %get3A_5 = vector.load %arg0[%get3A_2, %get3A_3, %get3A_4] : memref<2x10240x128xf32, #tpu.memory_space<vmem>>, vector<1x10000x128xf32>
    %get3A_6 = vector.shape_cast %get3A_5 : vector<1x10000x128xf32> to vector<10000x128xf32>
    %get3A_7 = arith.constant 1 : index
    %get3A_8 = arith.constant 0 : index
    %get3A_9 = arith.constant 0 : index
    %get3A_10 = vector.load %arg0[%get3A_7, %get3A_8, %get3A_9] : memref<2x10240x128xf32, #tpu.memory_space<vmem>>, vector<1x10000x128xf32>
    %get3A_11 = vector.shape_cast %get3A_10 : vector<1x10000x128xf32> to vector<10000x128xf32>
    %add3A = arith.addf %get3A_6, %get3A_11 : vector<10000x128xf32>
    %get3A_12 = arith.constant 0 : index
    %get3A_13 = arith.constant 0 : index
    %get3A_14 = vector.load %arg1[%get3A_12, %get3A_13] : memref<10000x128xf32, #tpu.memory_space<vmem>>, vector<10000x128xf32>
    %add3A_15 = arith.addf %add3A, %get3A_14 : vector<10000x128xf32>
    %mul3A = vector.broadcast %get3A_1 : vector<10000x1xf32> to vector<10000x128xf32>
    %mul3A_16 = arith.mulf %mul3A, %add3A_15 : vector<10000x128xf32>
    %get3A_17 = arith.constant 0 : index
    %get3A_18 = arith.constant 0 : index
    %get3A_19 = vector.load %arg3[%get3A_17, %get3A_18] : memref<1x128xf32, #tpu.memory_space<vmem>>, vector<1x128xf32>
    %add3A_20 = vector.broadcast %get3A_19 : vector<1x128xf32> to vector<10000x128xf32>
    %add3A_21 = arith.addf %mul3A_16, %add3A_20 : vector<10000x128xf32>
    %get3A_22 = arith.constant 0 : index
    %get3A_23 = arith.constant 0 : index
    %get3A_24 = vector.load %arg4[%get3A_22, %get3A_23] : memref<1x128xf32, #tpu.memory_space<vmem>>, vector<1x128xf32>
    %get3A_25 = arith.constant 0 : index
    %get3A_26 = arith.constant 0 : index
    %get3A_27 = vector.load %arg5[%get3A_25, %get3A_26] : memref<1x128xf32, #tpu.memory_space<vmem>>, vector<1x128xf32>
    %reduce_sum3A = arith.constant dense<0.000000e+00> : vector<128xf32>
    %reduce_sum3A_28 = vector.multi_reduction <add>, %add3A_21, %reduce_sum3A [0] : vector<10000x128xf32> to vector<128xf32>
    %broadcast_in_dim3A = vector.shape_cast %reduce_sum3A_28 : vector<128xf32> to vector<1x128xf32>
    %div3A = arith.constant 1.000000e+04 : f32
    %div3A_29 = vector.broadcast %div3A : f32 to vector<1x128xf32>
    %div3A_30 = arith.divf %broadcast_in_dim3A, %div3A_29 : vector<1x128xf32>
    %sub3A = vector.broadcast %div3A_30 : vector<1x128xf32> to vector<10000x128xf32>
    %sub3A_31 = arith.subf %add3A_21, %sub3A : vector<10000x128xf32>
    %integer_pow3A = arith.mulf %sub3A_31, %sub3A_31 : vector<10000x128xf32>
    %reduce_sum3A_32 = arith.constant dense<0.000000e+00> : vector<128xf32>
    %reduce_sum3A_33 = vector.multi_reduction <add>, %integer_pow3A, %reduce_sum3A_32 [0] : vector<10000x128xf32> to vector<128xf32>
    %broadcast_in_dim3A_34 = vector.shape_cast %reduce_sum3A_33 : vector<128xf32> to vector<1x128xf32>
    %div3A_35 = arith.constant 1.000000e+04 : f32
    %div3A_36 = vector.broadcast %div3A_35 : f32 to vector<1x128xf32>
    %div3A_37 = arith.divf %broadcast_in_dim3A_34, %div3A_36 : vector<1x128xf32>
    %sub3A_38 = vector.broadcast %div3A_30 : vector<1x128xf32> to vector<10000x128xf32>
    %sub3A_39 = arith.subf %add3A_21, %sub3A_38 : vector<10000x128xf32>
    %add3A_40 = arith.constant 9.99999974E-6 : f32
    %add3A_41 = vector.broadcast %add3A_40 : f32 to vector<1x128xf32>
    %add3A_42 = arith.addf %div3A_37, %add3A_41 : vector<1x128xf32>
    %rsqrt3A = math.rsqrt %add3A_42 : vector<1x128xf32>
    %mul3A_43 = vector.broadcast %rsqrt3A : vector<1x128xf32> to vector<10000x128xf32>
    %mul3A_44 = arith.mulf %sub3A_39, %mul3A_43 : vector<10000x128xf32>
    %mul3A_45 = vector.broadcast %get3A_24 : vector<1x128xf32> to vector<10000x128xf32>
    %mul3A_46 = arith.mulf %mul3A_44, %mul3A_45 : vector<10000x128xf32>
    %add3A_47 = vector.broadcast %get3A_27 : vector<1x128xf32> to vector<10000x128xf32>
    %add3A_48 = arith.addf %mul3A_46, %add3A_47 : vector<10000x128xf32>
    %gt3A = arith.constant 0.000000e+00 : f32
    %gt3A_49 = vector.broadcast %gt3A : f32 to vector<10000x128xf32>
    %gt3A_50 = arith.cmpf ogt, %add3A_48, %gt3A_49 : vector<10000x128xf32>
    %mul3A_51 = arith.constant 0.00999999977 : f32
    %mul3A_52 = vector.broadcast %mul3A_51 : f32 to vector<10000x128xf32>
    %mul3A_53 = arith.mulf %mul3A_52, %add3A_48 : vector<10000x128xf32>
    %select_n3A = arith.select %gt3A_50, %add3A_48, %mul3A_53 : vector<10000x128xi1>, vector<10000x128xf32>
    %get3A_54 = arith.constant 0 : index
    %get3A_55 = arith.constant 0 : index
    %get3A_56 = vector.load %arg6[%get3A_54, %get3A_55] : memref<128x128xf32, #tpu.memory_space<vmem>>, vector<128x128xf32>
    %dot_general3A = arith.constant dense<0.000000e+00> : vector<10000x128xf32>
    %dot_general3A_57 = tpu.matmul %select_n3A, %get3A_56, %dot_general3A {dimension_numbers = #tpu.dot_dimension_numbers<[1], [0], [0], [1], [0, 0, 1, 1], [], []>, transpose_lhs_hint = false} : vector<10000x128xf32>, vector<128x128xf32>, vector<10000x128xf32> -> vector<10000x128xf32>
    %mul3A_58 = vector.broadcast %get3A_1 : vector<10000x1xf32> to vector<10000x128xf32>
    %mul3A_59 = arith.mulf %dot_general3A_57, %mul3A_58 : vector<10000x128xf32>
    %swap3A = arith.constant 0 : index
    %swap3A_60 = arith.constant 0 : index
    %swap3A_61 = vector.load %arg7[%swap3A, %swap3A_60] : memref<10000x128xf32, #tpu.memory_space<vmem>>, vector<10000x128xf32>
    tpu.vector_store %arg7[%swap3A, %swap3A_60], %mul3A_59 {strides = array<i32>} : memref<10000x128xf32, #tpu.memory_space<vmem>>, vector<10000x128xf32>,
    return
  }
}

module attributes {stable_mosaic.version = 14 : i64} {
  func.func @_tc_final_body(%arg0: memref<2x10240x128xf32, #tpu.memory_space<vmem>>, %arg1: memref<10000x128xf32, #tpu.memory_space<vmem>>, %arg2: memref<10000x1xf32, #tpu.memory_space<vmem>>, %arg3: memref<1x128xf32, #tpu.memory_space<vmem>>, %arg4: memref<1x128xf32, #tpu.memory_space<vmem>>, %arg5: memref<1x128xf32, #tpu.memory_space<vmem>>, %arg6: memref<128x128xf32, #tpu.memory_space<vmem>>, %arg7: memref<1x128xf32, #tpu.memory_space<vmem>>, %arg8: memref<128x1xf32, #tpu.memory_space<vmem>>, %arg9: memref<1x1xf32, #tpu.memory_space<vmem>>, %arg10: memref<10000x1xf32, #tpu.memory_space<vmem>>) attributes {dimension_semantics = [], scalar_prefetch = 0 : i64, scratch_operands = 0 : i64, tpu.core_type = #tpu.core_type<tc>} {
    %get3A = arith.constant 0 : index
    %get3A_0 = arith.constant 0 : index
    %get3A_1 = vector.load %arg2[%get3A, %get3A_0] : memref<10000x1xf32, #tpu.memory_space<vmem>>, vector<10000x1xf32>
    %get3A_2 = arith.constant 0 : index
    %get3A_3 = arith.constant 0 : index
    %get3A_4 = arith.constant 0 : index
    %get3A_5 = vector.load %arg0[%get3A_2, %get3A_3, %get3A_4] : memref<2x10240x128xf32, #tpu.memory_space<vmem>>, vector<1x10000x128xf32>
    %get3A_6 = vector.shape_cast %get3A_5 : vector<1x10000x128xf32> to vector<10000x128xf32>
    %get3A_7 = arith.constant 1 : index
    %get3A_8 = arith.constant 0 : index
    %get3A_9 = arith.constant 0 : index
    %get3A_10 = vector.load %arg0[%get3A_7, %get3A_8, %get3A_9] : memref<2x10240x128xf32, #tpu.memory_space<vmem>>, vector<1x10000x128xf32>
    %get3A_11 = vector.shape_cast %get3A_10 : vector<1x10000x128xf32> to vector<10000x128xf32>
    %add3A = arith.addf %get3A_6, %get3A_11 : vector<10000x128xf32>
    %get3A_12 = arith.constant 0 : index
    %get3A_13 = arith.constant 0 : index
    %get3A_14 = vector.load %arg1[%get3A_12, %get3A_13] : memref<10000x128xf32, #tpu.memory_space<vmem>>, vector<10000x128xf32>
    %add3A_15 = arith.addf %add3A, %get3A_14 : vector<10000x128xf32>
    %mul3A = vector.broadcast %get3A_1 : vector<10000x1xf32> to vector<10000x128xf32>
    %mul3A_16 = arith.mulf %mul3A, %add3A_15 : vector<10000x128xf32>
    %get3A_17 = arith.constant 0 : index
    %get3A_18 = arith.constant 0 : index
    %get3A_19 = vector.load %arg3[%get3A_17, %get3A_18] : memref<1x128xf32, #tpu.memory_space<vmem>>, vector<1x128xf32>
    %add3A_20 = vector.broadcast %get3A_19 : vector<1x128xf32> to vector<10000x128xf32>
    %add3A_21 = arith.addf %mul3A_16, %add3A_20 : vector<10000x128xf32>
    %get3A_22 = arith.constant 0 : index
    %get3A_23 = arith.constant 0 : index
    %get3A_24 = vector.load %arg4[%get3A_22, %get3A_23] : memref<1x128xf32, #tpu.memory_space<vmem>>, vector<1x128xf32>
    %get3A_25 = arith.constant 0 : index
    %get3A_26 = arith.constant 0 : index
    %get3A_27 = vector.load %arg5[%get3A_25, %get3A_26] : memref<1x128xf32, #tpu.memory_space<vmem>>, vector<1x128xf32>
    %reduce_sum3A = arith.constant dense<0.000000e+00> : vector<128xf32>
    %reduce_sum3A_28 = vector.multi_reduction <add>, %add3A_21, %reduce_sum3A [0] : vector<10000x128xf32> to vector<128xf32>
    %broadcast_in_dim3A = vector.shape_cast %reduce_sum3A_28 : vector<128xf32> to vector<1x128xf32>
    %div3A = arith.constant 1.000000e+04 : f32
    %div3A_29 = vector.broadcast %div3A : f32 to vector<1x128xf32>
    %div3A_30 = arith.divf %broadcast_in_dim3A, %div3A_29 : vector<1x128xf32>
    %sub3A = vector.broadcast %div3A_30 : vector<1x128xf32> to vector<10000x128xf32>
    %sub3A_31 = arith.subf %add3A_21, %sub3A : vector<10000x128xf32>
    %integer_pow3A = arith.mulf %sub3A_31, %sub3A_31 : vector<10000x128xf32>
    %reduce_sum3A_32 = arith.constant dense<0.000000e+00> : vector<128xf32>
    %reduce_sum3A_33 = vector.multi_reduction <add>, %integer_pow3A, %reduce_sum3A_32 [0] : vector<10000x128xf32> to vector<128xf32>
    %broadcast_in_dim3A_34 = vector.shape_cast %reduce_sum3A_33 : vector<128xf32> to vector<1x128xf32>
    %div3A_35 = arith.constant 1.000000e+04 : f32
    %div3A_36 = vector.broadcast %div3A_35 : f32 to vector<1x128xf32>
    %div3A_37 = arith.divf %broadcast_in_dim3A_34, %div3A_36 : vector<1x128xf32>
    %sub3A_38 = vector.broadcast %div3A_30 : vector<1x128xf32> to vector<10000x128xf32>
    %sub3A_39 = arith.subf %add3A_21, %sub3A_38 : vector<10000x128xf32>
    %add3A_40 = arith.constant 9.99999974E-6 : f32
    %add3A_41 = vector.broadcast %add3A_40 : f32 to vector<1x128xf32>
    %add3A_42 = arith.addf %div3A_37, %add3A_41 : vector<1x128xf32>
    %rsqrt3A = math.rsqrt %add3A_42 : vector<1x128xf32>
    %mul3A_43 = vector.broadcast %rsqrt3A : vector<1x128xf32> to vector<10000x128xf32>
    %mul3A_44 = arith.mulf %sub3A_39, %mul3A_43 : vector<10000x128xf32>
    %mul3A_45 = vector.broadcast %get3A_24 : vector<1x128xf32> to vector<10000x128xf32>
    %mul3A_46 = arith.mulf %mul3A_44, %mul3A_45 : vector<10000x128xf32>
    %add3A_47 = vector.broadcast %get3A_27 : vector<1x128xf32> to vector<10000x128xf32>
    %add3A_48 = arith.addf %mul3A_46, %add3A_47 : vector<10000x128xf32>
    %gt3A = arith.constant 0.000000e+00 : f32
    %gt3A_49 = vector.broadcast %gt3A : f32 to vector<10000x128xf32>
    %gt3A_50 = arith.cmpf ogt, %add3A_48, %gt3A_49 : vector<10000x128xf32>
    %mul3A_51 = arith.constant 0.00999999977 : f32
    %mul3A_52 = vector.broadcast %mul3A_51 : f32 to vector<10000x128xf32>
    %mul3A_53 = arith.mulf %mul3A_52, %add3A_48 : vector<10000x128xf32>
    %select_n3A = arith.select %gt3A_50, %add3A_48, %mul3A_53 : vector<10000x128xi1>, vector<10000x128xf32>
    %get3A_54 = arith.constant 0 : index
    %get3A_55 = arith.constant 0 : index
    %get3A_56 = vector.load %arg6[%get3A_54, %get3A_55] : memref<128x128xf32, #tpu.memory_space<vmem>>, vector<128x128xf32>
    %get3A_57 = arith.constant 0 : index
    %get3A_58 = arith.constant 0 : index
    %get3A_59 = vector.load %arg8[%get3A_57, %get3A_58] : memref<128x1xf32, #tpu.memory_space<vmem>>, vector<128x1xf32>
    %dot_general3A = arith.constant dense<0.000000e+00> : vector<128x1xf32>
    %dot_general3A_60 = tpu.matmul %get3A_56, %get3A_59, %dot_general3A {dimension_numbers = #tpu.dot_dimension_numbers<[1], [0], [0], [1], [0, 0, 1, 1], [], []>, transpose_lhs_hint = false} : vector<128x128xf32>, vector<128x1xf32>, vector<128x1xf32> -> vector<128x1xf32>
    %get3A_61 = arith.constant 0 : index
    %get3A_62 = arith.constant 0 : index
    %get3A_63 = vector.load %arg7[%get3A_61, %get3A_62] : memref<1x128xf32, #tpu.memory_space<vmem>>, vector<1x128xf32>
    %get3A_64 = arith.constant 0 : index
    %get3A_65 = arith.constant 0 : index
    %get3A_66 = vector.load %arg8[%get3A_64, %get3A_65] : memref<128x1xf32, #tpu.memory_space<vmem>>, vector<128x1xf32>
    %dot_general3A_67 = arith.constant dense<0.000000e+00> : vector<1x1xf32>
    %dot_general3A_68 = tpu.matmul %get3A_63, %get3A_66, %dot_general3A_67 {dimension_numbers = #tpu.dot_dimension_numbers<[1], [0], [0], [1], [0, 0, 1, 1], [], []>, transpose_lhs_hint = false} : vector<1x128xf32>, vector<128x1xf32>, vector<1x1xf32> -> vector<1x1xf32>
    %get3A_69 = arith.constant 0 : index
    %get3A_70 = arith.constant 0 : index
    %get3A_71 = vector.load %arg9[%get3A_69, %get3A_70] : memref<1x1xf32, #tpu.memory_space<vmem>>, vector<1x1xf32>
    %add3A_72 = arith.addf %dot_general3A_68, %get3A_71 : vector<1x1xf32>
    %dot_general3A_73 = arith.constant dense<0.000000e+00> : vector<10000x1xf32>
    %dot_general3A_74 = tpu.matmul %select_n3A, %dot_general3A_60, %dot_general3A_73 {dimension_numbers = #tpu.dot_dimension_numbers<[1], [0], [0], [1], [0, 0, 1, 1], [], []>, transpose_lhs_hint = false} : vector<10000x128xf32>, vector<128x1xf32>, vector<10000x1xf32> -> vector<10000x1xf32>
    %add3A_75 = vector.broadcast %add3A_72 : vector<1x1xf32> to vector<10000x1xf32>
    %add3A_76 = arith.addf %dot_general3A_74, %add3A_75 : vector<10000x1xf32>
    %logistic3A = arith.negf %add3A_76 : vector<10000x1xf32>
    %logistic3A_77 = math.exp %logistic3A : vector<10000x1xf32>
    %logistic3A_78 = arith.constant 1.000000e+00 : f32
    %logistic3A_79 = vector.broadcast %logistic3A_78 : f32 to vector<10000x1xf32>
    %logistic3A_80 = arith.addf %logistic3A_79, %logistic3A_77 : vector<10000x1xf32>
    %logistic3A_81 = arith.divf %logistic3A_79, %logistic3A_80 : vector<10000x1xf32>
    %swap3A = arith.constant 0 : index
    %swap3A_82 = arith.constant 0 : index
    %swap3A_83 = vector.load %arg10[%swap3A, %swap3A_82] : memref<10000x1xf32, #tpu.memory_space<vmem>>, vector<10000x1xf32>
    tpu.vector_store %arg10[%swap3A, %swap3A_82], %logistic3A_81 {strides = array<i32>} : memref<10000x1xf32, #tpu.memory_space<vmem>>, vector<10000x1xf32>,
    return
  }
}

</mosaic_0001>

<sc_bundles>
// kernel: kernel.12.cloned.1.call-start
scs
__scs_entry_jumppad:
0x0: {  	(pc) =	sbr.rel $0x88, $3  }
0x1: {  	(tag) =	ssettag $0x0;
	lr =	simm.s32 $0x1  }
0x2: {  	[smem:$0x3F95] =	sst lr;
	_ =	strace $0xD0000000  }
0x3: {  	_ = 	snop  }
0x4: {  	_ = 	snop  }
0x5: {  	_ = 	snop  }
0x6: {  	_ = 	snop  }
0x7: {  	_ = 	snop  }
__scs_overlays_trampoline_lowered:
0x8: {  	[smem:$0x3FA4] =	sst s0  }
0x9: {  	[smem:$0x3FA5] =	sst s1  }
0xa: {  	[smem:$0x3FA6] =	sst s2  }
0xb: {  	[smem:$0x3FA7] =	sst s3  }
0xc: {  	[smem:$0x3FA8] =	sst s4  }
0xd: {  	[smem:$0x3FA9] =	sst s5  }
0xe: {  	[smem:$0x3FAA] =	sst s6  }
0xf: {  	[smem:$0x3FAB] =	sst s7  }
0x10: {  	[smem:$0x3FAC] =	sst s8  }
0x11: {  	[smem:$0x3FAD] =	sst s9;
	s0 =	simm.s32 @!p0 $0x0  }
0x12: {  	s1 =	sld [smem:$0x3F93];
	s0 =	simm.s32 @p0 $0x1  }
0x13: {  	[smem:$0x3FAE] =	sst s0;
	s0 =	simm.s32 @!p1 $0x0  }
0x14: {  	s2 =	sld [smem:$0x3F92];
	s0 =	simm.s32 @p1 $0x1  }
0x15: {  	[smem:$0x3FAF] =	sst s0;
	s0 =	simm.s32 @!p2 $0x0  }
0x16: {  	s3 =	sld [smem:$0x3FDB];
	s0 =	simm.s32 @p2 $0x1  }
0x17: {  	s4 =	simm.s32 $0x1BF5;
	[smem:$0x3FB1] =	sst s0  }
0x18: {  	s0 =	sld [smem:$0x3F94];
	_ =	swait.ge [sflag:s4], $0x0  }
0x19: {  	s7 =	sld [smem:$0x3F95]  }
0x1a: {  	s8 =	sadd.s32 $0xFFFFE003, lr  }
0x1b: {  	s9 =	sadd.s32 $0xFFFFFEF7, lr;
	s5 =	simm.s32 $0xFFFFFFFF;
	p2 =	slt.u32 s8, $0xFFFFF086  }
0x1c: {  	p1 =	slt.u32 s9, $0xF7A;
	s5 =	simm.s32 @!p2 $0x0  }
0x1d: {  	s5 =	simm.s32 @p1 $0x1;
	p0 =	seq.s32 s7, s2  }
0x1e: {  	s7 =	smul.u32 @!p0 $0xF7A, s2;
	p2 =	seq.s32 @!p0 s5, $0x0  }
0x1f: {  	s9 =	smul.u32 $0xF7A, s1;
	s8 =	simm.s32 @!p0 $0x1BF5;
	p2 =	por !p2, p0  }
0x20: {  	[sflag:s8] =	ssyncset.s32 @!p0 $0xFFFFF086;
	s6 =	sadd.s32 @!p0 s3, s7;
	s7 =	simm.s32 @!p0 $0x108  }
0x21: {  	s3 =	sadd.s32 s3, s9;
	s6 =	sadd.s32 @!p0 $0x88, s6;
	s7 =	simm.s32 @p2 $0x1082  }
0x22: {  	[simem:s7], [sflag:s8] =	dma.local @!p0 [hbm:s6], $0xF7A  }
0x23: {  	s9 =	sor.u32 $0xD0000000, s2;
	s6 =	simm.s32 $0x108;
	_ =	swait.ge @!p0 [sflag:s8], $0x0  }
0x24: {  	s3 =	sadd.s32 $0x88, s3;
	s6 =	simm.s32 @!p1 $0x1082;
	[sflag:s4] =	ssyncset.s32 $0xFFFFF086  }
0x25: {  	[simem:s6], [sflag:s4] =	dma.local [hbm:s3], $0xF7A  }
0x26: {  	[smem:$0x3F95] =	sst s1;
	(tag) =	ssettag s2;
	_ =	strace s9  }
0x27: {  	s1 =	sld [smem:$0x3FA5]  }
0x28: {  	s2 =	sld [smem:$0x3FA6]  }
0x29: {  	s4 =	sld [smem:$0x3FA8]  }
0x2a: {  	p0 =	seq.s32 s5, $0x0;
	s5 =	sld [smem:$0x3FA9]  }
0x2b: {  	s6 =	sld [smem:$0x3FAA]  }
0x2c: {  	s7 =	sld [smem:$0x3FAB]  }
0x2d: {  	s3 =	simm.s32 $0x108;
	s8 =	sld [smem:$0x3FAC]  }
0x2e: {  	s3 =	simm.s32 @!p0 $0x1082;
	s9 =	sld [smem:$0x3FAD]  }
0x2f: {  	lr =	sadd.s32 s0, s3;
	s0 =	sld [smem:$0x3FA4]  }
0x30: {  	s3 =	sld [smem:$0x3FA7]  }
0x31: {  	[smem:$0x3FB0] =	sst s10  }
0x32: {  	s10 =	sld [smem:$0x3FAE];
	_ =	sdelay $0x3  }
0x33: {  	p0 =	seq.s32 s10, $0x1;
	s10 =	sld [smem:$0x3FB0];
	_ =	sdelay $0x3  }
0x34: {  	[smem:$0x3FB0] =	sst s10  }
0x35: {  	s10 =	sld [smem:$0x3FAF];
	_ =	sdelay $0x3  }
0x36: {  	p1 =	seq.s32 s10, $0x1;
	s10 =	sld [smem:$0x3FB0];
	_ =	sdelay $0x3  }
0x37: {  	[smem:$0x3FB0] =	sst s10  }
0x38: {  	s10 =	sld [smem:$0x3FB1]  }
0x39: {  	_ = 	snop;
	(pc) =	sbr.ind lr, $3  }
0x3a: {  	_ = 	snop  }
0x3b: {  	_ = 	snop  }
0x3c: {  	p2 =	seq.s32 s10, $0x1;
	s10 =	sld [smem:$0x3FB0]  }
0x3d: {  	_ =	shalt  }
0x3e: {  	_ =	shalt  }
0x3f: {  	_ =	shalt  }
0x40: {  	_ =	shalt  }
0x41: {  	_ =	shalt  }
0x42: {  	_ =	shalt  }
0x43: {  	_ =	shalt  }
0x44: {  	_ =	shalt  }
0x45: {  	_ =	shalt  }
0x46: {  	_ =	shalt  }
0x47: {  	_ =	shalt  }
0x48: {  	_ =	shalt  }
0x49: {  	_ =	shalt  }
0x4a: {  	_ =	shalt  }
0x4b: {  	_ =	shalt  }
0x4c: {  	_ =	shalt  }
0x4d: {  	_ =	shalt  }
0x4e: {  	_ =	shalt  }
0x4f: {  	_ =	shalt  }
0x50: {  	_ =	shalt  }
0x51: {  	_ =	shalt  }
0x52: {  	_ =	shalt  }
0x53: {  	_ =	shalt  }
0x54: {  	_ =	shalt  }
0x55: {  	_ =	shalt  }
0x56: {  	_ =	shalt  }
0x57: {  	_ =	shalt  }
0x58: {  	_ =	shalt  }
0x59: {  	_ =	shalt  }
0x5a: {  	_ =	shalt  }
0x5b: {  	_ =	shalt  }
0x5c: {  	_ =	shalt  }
0x5d: {  	_ =	shalt  }
0x5e: {  	_ =	shalt  }
0x5f: {  	_ =	shalt  }
0x60: {  	_ =	shalt  }
0x61: {  	_ =	shalt  }
0x62: {  	_ =	shalt  }
0x63: {  	_ =	shalt  }
0x64: {  	_ =	shalt  }
0x65: {  	_ =	shalt  }
0x66: {  	_ =	shalt  }
0x67: {  	_ =	shalt  }
0x68: {  	_ =	shalt  }
0x69: {  	_ =	shalt  }
0x6a: {  	_ =	shalt  }
0x6b: {  	_ =	shalt  }
0x6c: {  	_ =	shalt  }
0x6d: {  	_ =	shalt  }
0x6e: {  	_ =	shalt  }
0x6f: {  	_ =	shalt  }
0x70: {  	_ =	shalt  }
0x71: {  	_ =	shalt  }
0x72: {  	_ =	shalt  }
0x73: {  	_ =	shalt  }
0x74: {  	_ =	shalt  }
0x75: {  	_ =	shalt  }
0x76: {  	_ =	shalt  }
0x77: {  	_ =	shalt  }
0x78: {  	_ =	shalt  }
0x79: {  	_ =	shalt  }
0x7a: {  	_ =	shalt  }
0x7b: {  	_ =	shalt  }
0x7c: {  	_ =	shalt  }
0x7d: {  	_ =	shalt  }
0x7e: {  	_ =	shalt  }
0x7f: {  	_ =	shalt  }
0x80: {  	_ =	shalt  }
0x81: {  	_ =	shalt  }
0x82: {  	_ =	shalt  }
0x83: {  	_ =	shalt  }
0x84: {  	_ =	shalt  }
0x85: {  	_ =	shalt  }
0x86: {  	_ =	shalt  }
0x87: {  	_ =	shalt  }
.Lfunc_end0:
.L_simem_size_0:
called_computation.1_lowered:
.L_overlay_start_0:
0x88: {  	s2 =	sld [smem:$0x3FD9]  }
0x89: {  	s3 =	sld [smem:$0x3FFE];
	_ =	sdelay $0x1  }
0x8a: {  	s1 =	srdreg.scid  }
0x8b: {  	s0 =	sand.u32 $0x1, s1  }
0x8c: {  	s16 =	sshll.u32 s0, $0xA;
	s2 =	sadd.s32 s3, s2  }
0x8d: {  	s2 =	sadd.s32 s2, s16  }
0x8e: {  	[smem:$0x3FBC] =	sst s2  }
0x8f: {  	_ = 	snop  }
0x90: {  	(tm) =	ssettm $0x1  }
0x91: {  	s17 =	sld [smem:$0x3FFB];
	_ =	sdelay $0x3  }
0x92: {  	_ =	strace s17  }
0x93: {  	s2 =	sld [smem:$0x3FFC];
	_ =	sdelay $0x3  }
0x94: {  	_ =	strace s2  }
0x95: {  	s2 =	sld [smem:$0x3FFD];
	_ =	sdelay $0x3  }
0x96: {  	_ =	strace s2  }
0x97: {  	_ =	strace $0x8FFFFFFF  }
0x98: {  	s18 =	sld [smem:$0x3FDB];
	_ =	sdelay $0x1  }
0x99: {  	s19 =	simm.s32 $_scs_section_size  }
0x9a: {  	s4 =	simm.s32 $_size__tile_overlayer_lowered;
	s5 =	simm.s32 $_tile_overlayer_lowered  }
0x9b: {  	s22 =	simm.s32 $0x1BFF;
	s21 =	sshll.u32 s5, $0x1;
	s2 =	sadd.s32 s19, s18  }
0x9c: {  	s6 =	simm.s32 $0x0;
	s20 =	sshll.u32 s4, $0x1;
	s4 =	sadd.s32 s21, s2  }
0x9d: {  	[timem:s6], [sflag:s22] =	dma.local [hbm:s4], s20  }
0x9e: {  	_ =	swait.ge [sflag:s22], s20  }
0x9f: {  	s3 =	ssub.s32 $0x0, s20;
	[sflag:s22] =	ssyncset.done $0x0  }
0xa0: {  	[sflag:s22] =	ssyncadd.s32 s3;
	_ =	sdelay $0x1  }
0xa1: {  	s23 =	simm.s32 $0x1B8B  }
0xa2: {  	_ =	swait.ge [sflag:s23], $0x1  }
0xa3: {  	[sflag:s23] =	ssyncset.done $0x0  }
0xa4: {  	s25 =	simm.s32 $0x1B8E;
	s24 =	sld [smem:$0x3FFE];
	[sflag:s23] =	ssyncadd.s32 $0xFFFFFFFF  }
0xa5: {  	s26 =	simm.s32 $execute0_lowered;
	[smem:$0x3FD2] =	sst s25  }
0xa6: {  	s4 =	sshll.u32 s26, $0x1;
	_ =	strace $0x80000049;
	[dreg:$0x1] =	wrdreg $0xFFFFFFFF  }
0xa7: {  	s28 =	simm.s32 $_size_execute0_lowered;
	s2 =	sadd.s32 s2, s4;
	[dreg:$0x0] =	wrdreg $0x0  }
0xa8: {  	s4 =	sshll.u32 s28, $0x1;
	[dreg:$0x2] =	wrdreg s2  }
0xa9: {  	[dreg:$0x3] =	wrdreg s4  }
0xaa: {  	[dreg:$0x4] =	wrdreg $0xC0  }
0xab: {  	_ =	task [dreg:s6], $0x5FFFF  }
0xac: {  	[dreg:$0x1] =	wrdreg $0xFFFFFFFF  }
0xad: {  	[dreg:$0x0] =	wrdreg $0x60  }
0xae: {  	[dreg:$0x2] =	wrdreg s24  }
0xaf: {  	[dreg:$0x3] =	wrdreg $0x9C000  }
0xb0: {  	[dreg:$0x4] =	wrdreg $0x9  }
0xb1: {  	_ =	task.clear_ibuf [dreg:s6], $0x5FFFF;
	_ =	strace $0x90000049  }
0xb2: {  	s29 =	simm.s32 $0x9;
	_ =	strace $0x8000004B  }
0xb3: {  	_ =	swait.ge [sflag:s29], $0x1  }
0xb4: {  	[sflag:s29] =	ssyncadd.s32 $0xFFFFFFFF  }
0xb5: {  	_ =	strace $0x9000004B  }
0xb6: {  	_ =	sfence  }
0xb7: {  	s30 =	sld [smem:$0x0];
	_ =	sdelay $0x2  }
0xb8: {  	s31 =	sshll.u32 s1, $0xD;
	s1 =	sshrl.u32 s1, $0x2  }
0xb9: {  	s3 =	sand.u32 $0x4000, s31;
	s1 =	sadd.s32 s1, s30  }
0xba: {  	s0 =	sor.u32 s3, s0;
	s1 =	sshll.u32 s1, $0x11  }
0xbb: {  	s0 =	sor.u32 s1, s0  }
0xbc: {  	s0 =	sadd.s32 $0x8F2B, s0  }
0xbd: {  	[sflag:s0] =	ssyncadd.remote.s32 $0x1  }
0xbe: {  	_ =	sfence.sel $0xFFFF  }
0xbf: {  	[dreg:$0x0] =	wrdreg $0xFFFFFFFF;
	(pc) =	sbr.abs _section_cstart, $3  }
0xc0: {  	[dreg:$0x1] =	wrdreg $0xFFFFFFFF  }
0xc1: {  	_ =	task.clear_ibuf [dreg:s6], $0x2FFFF;
	_ =	strace $0x9FFFFFFF  }
0xc2: {  	(tm) =	ssettm $0x7FFFFFFF  }
0xc3: {  	_ =	shalt  }
tec
execute0_lowered:
.L_overlay_start_1:
0x0: {  	(tag) =	ssettag $0x1  }
0x1: {  	s6 =	rddreg [dreg:$0x0]  }
0x2: {  	s0 =	srdreg.scid;
	s2 =	rddreg [dreg:$0x1];
	s3 =	simm.s32 $0x0  }
0x3: {  	s14 =	simm.s32 $0x64;
	s5 =	sand.u32 $0x1, s0;
	s0 =	stileid.u32  }
0x4: {  	s15 =	simm.s32 $0x6800;
	s16 =	simm.s32 $0x0;
	s8 =	smul.u32 $0x14000, s0  }
0x5: {  	[smem:$0x7FF] =	sst s3;
	s4 =	sadd.s32 $0x37800, s6;
	s9 =	smul.u32 $0x140000, s5  }
0x6: {  	s1 =	sshll.u32 s5, $0x4;
	s28 =	smul.u32 $0x50000, s0;
	s5 =	ssub.s32 $0x2, s5  }
0x7: {  	s31 =	sshll.u32 s0, $0x6;
	s1 =	sor.u32 s0, s1;
	s29 =	sshrl.u32 s5, $0x1  }
0x8: {  	s7 =	smul.u32 $0x680, s1;
	s1 =	rddreg [dreg:$0x2];
	_ =	strace $0x8000004A  }
0x9: {  	s26 =	sshrl.u32 s8, $0x3;
	s8 =	sadd.s32 s8, s9;
	s30 =	sshrl.u32 s28, $0x2  }
0xa: {  	s12 =	ssub.s32 s5, s29;
	s8 =	sshrl.u32 s8, $0x3;
	s13 =	sadd.s32 s30, s2  }
0xb: {  	s10 =	sadd.s32 s7, s6;
	s7 =	sadd.s32 s26, s6;
	s11 =	sadd.s32 s8, s6  }
0xc: {  	s6 =	sor.u32 $0x1C01, s31;
	s5 =	sadd.s32 $0xF800, s7;
	s7 =	sadd.s32 $0x88000, s10  }
0xd: {  	s8 =	sadd.s32 $0x2800, s10;
	s9 =	sadd.s32 $0x95000, s11;
	s10 =	smax.u32 s12, $0x1  }
0xe: {  	s11 =	sshrl.u32 s13, $0x3;
	s12 =	simm.s32 $0x1;
	s13 =	simm.s32 $0x3400  }
.LBB2_1:
0xf: {  	[spmem:s11], [sflag:s6] =	dma.local [hbm:s5], $0x2800  }
0x10: {  	_ =	swait.ge [sflag:s12], $0x2800  }
0x11: {  	[sflag:s12] =	ssyncset.done $0x0  }
0x12: {  	[sflag:s12] =	ssyncadd.s32 $0xFFFFD800  }
0x13: {  	[tilespmem:s3], [sflag:$0x1] =	stream.linear.gather [hbm4b:s7+s3], $0x3200, $0x38;
	[tilespmem:$0x1DC00] =	vst v63  }
0x14: {  	_ =	swait.ge [sflag:s12], $0x3200  }
0x15: {  	[sflag:s12] =	ssyncset.done $0x0  }
0x16: {  	[sflag:s12] =	ssyncadd.s32 $0xFFFFCE00  }
0x17: {  	[tilespmem:s13], [sflag:$0x1] =	stream.linear.gather [hbm4b:s8+s3], $0x3200, $0x38;
	[tilespmem:$0x1DC00] =	vst v63  }
0x18: {  	_ =	swait.ge [sflag:s12], $0x3200  }
0x19: {  	[sflag:s12] =	ssyncset.done $0x0  }
0x1a: {  	[sflag:s12] =	ssyncadd.s32 $0xFFFFCE00  }
0x1b: {  	s17 =	simm.s32 $0x0;
	[bflag:$0x0] =	sbarrier.arrive $0xFFFF  }
0x1c: {  	[tilespmem:s15], [sflag:$0x1] =	stream.indirect.gather [hbm4b:s4+s14], $0x80, s17, s14, $0xb8;
	[tilespmem:$0x1DC00] =	vst v63  }
0x1d: {  	_ =	swait.ge [sflag:s12], $0x3200  }
0x1e: {  	[sflag:s12] =	ssyncset.done $0x0  }
0x1f: {  	s31 =	simm.s32 $0x3400;
	[sflag:s12] =	ssyncadd.s32 $0xFFFFCE00  }
0x20: {  	[spmem:s2] =	stream.indirect.scatter.add.f32 [tilespmem:s15], [sflag:$0x1], $0x80, s31, s14, $0xb8;
	[tilespmem:$0x1DC00] =	vst v63  }
0x21: {  	_ =	swait.ge [sflag:s12], $0x3200  }
0x22: {  	s18 =	simm.s32 $0x400;
	s17 =	simm.s32 $0x200;
	[sflag:s12] =	ssyncset.done $0x0  }
.LBB2_2:
0x23: {  	s19 =	sshra.s32 s17, $0x2  }
0x24: {  	[sflag:s12] =	ssyncadd.s32 $0xFFFFCE00;
	s17 =	smov.u32 s18;
	s20 =	sadd.s32 $0x200, s18  }
0x25: {  	[tilespmem:s15], [sflag:$0x1] =	stream.indirect.gather [hbm4b:s4+s14], $0x80, s19, s14, $0xb8;
	[tilespmem:$0x1DC00] =	vst v63  }
0x26: {  	p0 =	sne.s32 s18, $0xC600;
	_ =	swait.ge [sflag:s12], $0x3200  }
.Ltmp0:
0x27: {  	[sflag:s12] =	ssyncset.done $0x0;
	(pc) =	sbr.rel @p0 .LBB2_2-.Ltmp0, $4  }
0x28: {  	s18 =	sadd.s32 $0x3400, s19;
	[sflag:s12] =	ssyncadd.s32 $0xFFFFCE00  }
0x29: {  	[spmem:s2] =	stream.indirect.scatter.add.f32 [tilespmem:s15], [sflag:$0x1], $0x80, s18, s14, $0xb8;
	[tilespmem:$0x1DC00] =	vst v63  }
0x2a: {  	_ =	swait.ge [sflag:s12], $0x3200  }
0x2b: {  	s18 =	smov.u32 s20;
	[sflag:s12] =	ssyncset.done $0x0  }
0x2c: {  	s17 =	sshra.s32 s17, $0x2;
	[sflag:s12] =	ssyncadd.s32 $0xFFFFCE00  }
0x2d: {  	[tilespmem:s15], [sflag:$0x1] =	stream.indirect.gather [hbm4b:s4+s14], $0x80, s17, s14, $0xb8;
	[tilespmem:$0x1DC00] =	vst v63  }
0x2e: {  	_ =	swait.ge [sflag:s12], $0x3200  }
0x2f: {  	[sflag:s12] =	ssyncset.done $0x0  }
0x30: {  	s17 =	sadd.s32 $0x3400, s17;
	[sflag:s12] =	ssyncadd.s32 $0xFFFFCE00  }
0x31: {  	[spmem:s2] =	stream.indirect.scatter.add.f32 [tilespmem:s15], [sflag:$0x1], $0x80, s17, s14, $0xb8;
	[tilespmem:$0x1DC00] =	vst v63  }
0x32: {  	_ =	swait.ge [sflag:s12], $0x3200  }
0x33: {  	[sflag:s12] =	ssyncset.done $0x0  }
0x34: {  	s16 =	sadd.s32 $0x1, s16;
	[sflag:s12] =	ssyncadd.s32 $0xFFFFCE00  }
0x35: {  	p0 =	sne.s32 s16, s10;
	[bflag:$0x0] =	sbarrier.arrive $0xFFFF  }
.Ltmp1:
0x36: {  	[bflag:$0x0] =	sbarrier.arrive $0xFFFF;
	(pc) =	sbr.rel @p0 .LBB2_1-.Ltmp1, $4  }
0x37: {  	[hbm:s9], [sflag:s6] =	dma.local [spmem:s11], $0x2800  }
0x38: {  	_ =	swait.ge [sflag:s12], $0x2800  }
0x39: {  	[sflag:s12] =	ssyncset.done $0x0  }
0x3a: {  	[sflag:s12] =	ssyncadd.s32 $0xFFFFD800  }
0x3b: {  	_ =	sfence.sel $0x180000  }
0x3c: {  	[bflag:$0x0] =	sbarrier.arrive $0xFFFF  }
0x3d: {  	p0 =	sne.s32 s0, $0x0;
	_ =	strace $0x9000004A  }
0x3e: {  	s0 =	sadd.s32 @!p0 $0x100000, s1;
	[bflag:$0x2] =	sbarrier.arrive $0xFFFF  }
0x3f: {  	[sflag:s0] =	ssyncadd.tile.s32 @!p0 $0x1;
	_ =	shalt  }
.Lfunc_end2:
_tile_overlayer_lowered:
.L_overlay_start_2:
0x40: {  	(tag) =	ssettag $0x2  }
0x41: {  	s0 =	rddreg [dreg:$0x0];
	s2 =	stileid.u32  }
0x42: {  	s1 =	rddreg [dreg:$0x1];
	p0 =	sne.s32 s2, $0x0  }
0x43: {  	s3 =	rddreg [dreg:$0x2];
	[bflag:$0x3] =	sbarrier.arrive $0xFFFF;
	s2 =	simm.s32 @!p0 $0x1C01  }
0x44: {  	[timem:s3], [sflag:s2] =	dma.local @!p0 [hbm:s0], s1  }
0x45: {  	s0 =	simm.s32 @!p0 $0x1  }
0x46: {  	_ =	swait.ge @!p0 [sflag:s0], s1  }
0x47: {  	s1 =	ssub.s32 @!p0 $0x0, s1;
	[sflag:s0] =	ssyncset.done @!p0 $0x0  }
0x48: {  	[sflag:s0] =	ssyncadd.s32 @!p0 s1  }
0x49: {  	[bflag:$0x3] =	sbarrier.arrive $0xFFFF  }
0x4a: {  	_ =	shalt  }

// kernel: kernel.15.cloned.1.call-start
scs
__scs_entry_jumppad:
0x0: {  	(pc) =	sbr.rel $0x88, $3  }
0x1: {  	(tag) =	ssettag $0x0;
	lr =	simm.s32 $0x1  }
0x2: {  	[smem:$0x3F95] =	sst lr;
	_ =	strace $0xD0000000  }
0x3: {  	_ = 	snop  }
0x4: {  	_ = 	snop  }
0x5: {  	_ = 	snop  }
0x6: {  	_ = 	snop  }
0x7: {  	_ = 	snop  }
__scs_overlays_trampoline_lowered:
0x8: {  	[smem:$0x3FA4] =	sst s0  }
0x9: {  	[smem:$0x3FA5] =	sst s1  }
0xa: {  	[smem:$0x3FA6] =	sst s2  }
0xb: {  	[smem:$0x3FA7] =	sst s3  }
0xc: {  	[smem:$0x3FA8] =	sst s4  }
0xd: {  	[smem:$0x3FA9] =	sst s5  }
0xe: {  	[smem:$0x3FAA] =	sst s6  }
0xf: {  	[smem:$0x3FAB] =	sst s7  }
0x10: {  	[smem:$0x3FAC] =	sst s8  }
0x11: {  	[smem:$0x3FAD] =	sst s9;
	s0 =	simm.s32 @!p0 $0x0  }
0x12: {  	s1 =	sld [smem:$0x3F93];
	s0 =	simm.s32 @p0 $0x1  }
0x13: {  	[smem:$0x3FAE] =	sst s0;
	s0 =	simm.s32 @!p1 $0x0  }
0x14: {  	s2 =	sld [smem:$0x3F92];
	s0 =	simm.s32 @p1 $0x1  }
0x15: {  	[smem:$0x3FAF] =	sst s0;
	s0 =	simm.s32 @!p2 $0x0  }
0x16: {  	s3 =	sld [smem:$0x3FDB];
	s0 =	simm.s32 @p2 $0x1  }
0x17: {  	s4 =	simm.s32 $0x1BF5;
	[smem:$0x3FB1] =	sst s0  }
0x18: {  	s0 =	sld [smem:$0x3F94];
	_ =	swait.ge [sflag:s4], $0x0  }
0x19: {  	s7 =	sld [smem:$0x3F95]  }
0x1a: {  	s8 =	sadd.s32 $0xFFFFE003, lr  }
0x1b: {  	s9 =	sadd.s32 $0xFFFFFEF7, lr;
	s5 =	simm.s32 $0xFFFFFFFF;
	p2 =	slt.u32 s8, $0xFFFFF086  }
0x1c: {  	p1 =	slt.u32 s9, $0xF7A;
	s5 =	simm.s32 @!p2 $0x0  }
0x1d: {  	s5 =	simm.s32 @p1 $0x1;
	p0 =	seq.s32 s7, s2  }
0x1e: {  	s7 =	smul.u32 @!p0 $0xF7A, s2;
	p2 =	seq.s32 @!p0 s5, $0x0  }
0x1f: {  	s9 =	smul.u32 $0xF7A, s1;
	s8 =	simm.s32 @!p0 $0x1BF5;
	p2 =	por !p2, p0  }
0x20: {  	[sflag:s8] =	ssyncset.s32 @!p0 $0xFFFFF086;
	s6 =	sadd.s32 @!p0 s3, s7;
	s7 =	simm.s32 @!p0 $0x108  }
0x21: {  	s3 =	sadd.s32 s3, s9;
	s6 =	sadd.s32 @!p0 $0x88, s6;
	s7 =	simm.s32 @p2 $0x1082  }
0x22: {  	[simem:s7], [sflag:s8] =	dma.local @!p0 [hbm:s6], $0xF7A  }
0x23: {  	s9 =	sor.u32 $0xD0000000, s2;
	s6 =	simm.s32 $0x108;
	_ =	swait.ge @!p0 [sflag:s8], $0x0  }
0x24: {  	s3 =	sadd.s32 $0x88, s3;
	s6 =	simm.s32 @!p1 $0x1082;
	[sflag:s4] =	ssyncset.s32 $0xFFFFF086  }
0x25: {  	[simem:s6], [sflag:s4] =	dma.local [hbm:s3], $0xF7A  }
0x26: {  	[smem:$0x3F95] =	sst s1;
	(tag) =	ssettag s2;
	_ =	strace s9  }
0x27: {  	s1 =	sld [smem:$0x3FA5]  }
0x28: {  	s2 =	sld [smem:$0x3FA6]  }
0x29: {  	s4 =	sld [smem:$0x3FA8]  }
0x2a: {  	p0 =	seq.s32 s5, $0x0;
	s5 =	sld [smem:$0x3FA9]  }
0x2b: {  	s6 =	sld [smem:$0x3FAA]  }
0x2c: {  	s7 =	sld [smem:$0x3FAB]  }
0x2d: {  	s3 =	simm.s32 $0x108;
	s8 =	sld [smem:$0x3FAC]  }
0x2e: {  	s3 =	simm.s32 @!p0 $0x1082;
	s9 =	sld [smem:$0x3FAD]  }
0x2f: {  	lr =	sadd.s32 s0, s3;
	s0 =	sld [smem:$0x3FA4]  }
0x30: {  	s3 =	sld [smem:$0x3FA7]  }
0x31: {  	[smem:$0x3FB0] =	sst s10  }
0x32: {  	s10 =	sld [smem:$0x3FAE];
	_ =	sdelay $0x3  }
0x33: {  	p0 =	seq.s32 s10, $0x1;
	s10 =	sld [smem:$0x3FB0];
	_ =	sdelay $0x3  }
0x34: {  	[smem:$0x3FB0] =	sst s10  }
0x35: {  	s10 =	sld [smem:$0x3FAF];
	_ =	sdelay $0x3  }
0x36: {  	p1 =	seq.s32 s10, $0x1;
	s10 =	sld [smem:$0x3FB0];
	_ =	sdelay $0x3  }
0x37: {  	[smem:$0x3FB0] =	sst s10  }
0x38: {  	s10 =	sld [smem:$0x3FB1]  }
0x39: {  	_ = 	snop;
	(pc) =	sbr.ind lr, $3  }
0x3a: {  	_ = 	snop  }
0x3b: {  	_ = 	snop  }
0x3c: {  	p2 =	seq.s32 s10, $0x1;
	s10 =	sld [smem:$0x3FB0]  }
0x3d: {  	_ =	shalt  }
0x3e: {  	_ =	shalt  }
0x3f: {  	_ =	shalt  }
0x40: {  	_ =	shalt  }
0x41: {  	_ =	shalt  }
0x42: {  	_ =	shalt  }
0x43: {  	_ =	shalt  }
0x44: {  	_ =	shalt  }
0x45: {  	_ =	shalt  }
0x46: {  	_ =	shalt  }
0x47: {  	_ =	shalt  }
0x48: {  	_ =	shalt  }
0x49: {  	_ =	shalt  }
0x4a: {  	_ =	shalt  }
0x4b: {  	_ =	shalt  }
0x4c: {  	_ =	shalt  }
0x4d: {  	_ =	shalt  }
0x4e: {  	_ =	shalt  }
0x4f: {  	_ =	shalt  }
0x50: {  	_ =	shalt  }
0x51: {  	_ =	shalt  }
0x52: {  	_ =	shalt  }
0x53: {  	_ =	shalt  }
0x54: {  	_ =	shalt  }
0x55: {  	_ =	shalt  }
0x56: {  	_ =	shalt  }
0x57: {  	_ =	shalt  }
0x58: {  	_ =	shalt  }
0x59: {  	_ =	shalt  }
0x5a: {  	_ =	shalt  }
0x5b: {  	_ =	shalt  }
0x5c: {  	_ =	shalt  }
0x5d: {  	_ =	shalt  }
0x5e: {  	_ =	shalt  }
0x5f: {  	_ =	shalt  }
0x60: {  	_ =	shalt  }
0x61: {  	_ =	shalt  }
0x62: {  	_ =	shalt  }
0x63: {  	_ =	shalt  }
0x64: {  	_ =	shalt  }
0x65: {  	_ =	shalt  }
0x66: {  	_ =	shalt  }
0x67: {  	_ =	shalt  }
0x68: {  	_ =	shalt  }
0x69: {  	_ =	shalt  }
0x6a: {  	_ =	shalt  }
0x6b: {  	_ =	shalt  }
0x6c: {  	_ =	shalt  }
0x6d: {  	_ =	shalt  }
0x6e: {  	_ =	shalt  }
0x6f: {  	_ =	shalt  }
0x70: {  	_ =	shalt  }
0x71: {  	_ =	shalt  }
0x72: {  	_ =	shalt  }
0x73: {  	_ =	shalt  }
0x74: {  	_ =	shalt  }
0x75: {  	_ =	shalt  }
0x76: {  	_ =	shalt  }
0x77: {  	_ =	shalt  }
0x78: {  	_ =	shalt  }
0x79: {  	_ =	shalt  }
0x7a: {  	_ =	shalt  }
0x7b: {  	_ =	shalt  }
0x7c: {  	_ =	shalt  }
0x7d: {  	_ =	shalt  }
0x7e: {  	_ =	shalt  }
0x7f: {  	_ =	shalt  }
0x80: {  	_ =	shalt  }
0x81: {  	_ =	shalt  }
0x82: {  	_ =	shalt  }
0x83: {  	_ =	shalt  }
0x84: {  	_ =	shalt  }
0x85: {  	_ =	shalt  }
0x86: {  	_ =	shalt  }
0x87: {  	_ =	shalt  }
.Lfunc_end0:
.L_simem_size_0:
called_computation.2_lowered:
.L_overlay_start_0:
0x88: {  	s2 =	sld [smem:$0x3FD9]  }
0x89: {  	s3 =	sld [smem:$0x3FFE];
	_ =	sdelay $0x1  }
0x8a: {  	s1 =	srdreg.scid  }
0x8b: {  	s0 =	sand.u32 $0x1, s1  }
0x8c: {  	s16 =	sshll.u32 s0, $0xA;
	s2 =	sadd.s32 s3, s2  }
0x8d: {  	s2 =	sadd.s32 s2, s16  }
0x8e: {  	[smem:$0x3FBC] =	sst s2  }
0x8f: {  	_ = 	snop  }
0x90: {  	(tm) =	ssettm $0x1  }
0x91: {  	s17 =	sld [smem:$0x3FFB];
	_ =	sdelay $0x3  }
0x92: {  	_ =	strace s17  }
0x93: {  	s2 =	sld [smem:$0x3FFC];
	_ =	sdelay $0x3  }
0x94: {  	_ =	strace s2  }
0x95: {  	s2 =	sld [smem:$0x3FFD];
	_ =	sdelay $0x3  }
0x96: {  	_ =	strace s2  }
0x97: {  	_ =	strace $0x8FFFFFFF  }
0x98: {  	s18 =	sld [smem:$0x3FDB];
	_ =	sdelay $0x1  }
0x99: {  	s19 =	simm.s32 $_scs_section_size  }
0x9a: {  	s4 =	simm.s32 $_size__tile_overlayer_lowered;
	s5 =	simm.s32 $_tile_overlayer_lowered  }
0x9b: {  	s22 =	simm.s32 $0x1BFF;
	s21 =	sshll.u32 s5, $0x1;
	s2 =	sadd.s32 s19, s18  }
0x9c: {  	s6 =	simm.s32 $0x0;
	s20 =	sshll.u32 s4, $0x1;
	s4 =	sadd.s32 s21, s2  }
0x9d: {  	[timem:s6], [sflag:s22] =	dma.local [hbm:s4], s20  }
0x9e: {  	_ =	swait.ge [sflag:s22], s20  }
0x9f: {  	s3 =	ssub.s32 $0x0, s20;
	[sflag:s22] =	ssyncset.done $0x0  }
0xa0: {  	[sflag:s22] =	ssyncadd.s32 s3;
	_ =	sdelay $0x1  }
0xa1: {  	s23 =	simm.s32 $0x1B8B  }
0xa2: {  	_ =	swait.ge [sflag:s23], $0x1  }
0xa3: {  	[sflag:s23] =	ssyncset.done $0x0  }
0xa4: {  	s25 =	simm.s32 $0x1B8E;
	s24 =	sld [smem:$0x3FFE];
	[sflag:s23] =	ssyncadd.s32 $0xFFFFFFFF  }
0xa5: {  	s26 =	simm.s32 $execute0_lowered;
	[smem:$0x3FD2] =	sst s25  }
0xa6: {  	s4 =	sshll.u32 s26, $0x1;
	_ =	strace $0x8000004C;
	[dreg:$0x1] =	wrdreg $0xFFFFFFFF  }
0xa7: {  	s28 =	simm.s32 $_size_execute0_lowered;
	s2 =	sadd.s32 s2, s4;
	[dreg:$0x0] =	wrdreg $0x0  }
0xa8: {  	s4 =	sshll.u32 s28, $0x1;
	[dreg:$0x2] =	wrdreg s2  }
0xa9: {  	[dreg:$0x3] =	wrdreg s4  }
0xaa: {  	[dreg:$0x4] =	wrdreg $0xC0  }
0xab: {  	_ =	task [dreg:s6], $0x5FFFF  }
0xac: {  	[dreg:$0x1] =	wrdreg $0xFFFFFFFF  }
0xad: {  	[dreg:$0x0] =	wrdreg $0x60  }
0xae: {  	[dreg:$0x2] =	wrdreg s24  }
0xaf: {  	[dreg:$0x3] =	wrdreg $0x9C000  }
0xb0: {  	[dreg:$0x4] =	wrdreg $0x9  }
0xb1: {  	_ =	task.clear_ibuf [dreg:s6], $0x5FFFF;
	_ =	strace $0x9000004C  }
0xb2: {  	s29 =	simm.s32 $0x9;
	_ =	strace $0x8000004E  }
0xb3: {  	_ =	swait.ge [sflag:s29], $0x1  }
0xb4: {  	[sflag:s29] =	ssyncadd.s32 $0xFFFFFFFF  }
0xb5: {  	_ =	strace $0x9000004E  }
0xb6: {  	_ =	sfence  }
0xb7: {  	s30 =	sld [smem:$0x0];
	_ =	sdelay $0x2  }
0xb8: {  	s31 =	sshll.u32 s1, $0xD;
	s1 =	sshrl.u32 s1, $0x2  }
0xb9: {  	s3 =	sand.u32 $0x4000, s31;
	s1 =	sadd.s32 s1, s30  }
0xba: {  	s0 =	sor.u32 s3, s0;
	s1 =	sshll.u32 s1, $0x11  }
0xbb: {  	s0 =	sor.u32 s1, s0  }
0xbc: {  	s0 =	sadd.s32 $0x8F2B, s0  }
0xbd: {  	[sflag:s0] =	ssyncadd.remote.s32 $0x1  }
0xbe: {  	_ =	sfence.sel $0xFFFF  }
0xbf: {  	[dreg:$0x0] =	wrdreg $0xFFFFFFFF;
	(pc) =	sbr.abs _section_cstart, $3  }
0xc0: {  	[dreg:$0x1] =	wrdreg $0xFFFFFFFF  }
0xc1: {  	_ =	task.clear_ibuf [dreg:s6], $0x2FFFF;
	_ =	strace $0x9FFFFFFF  }
0xc2: {  	(tm) =	ssettm $0x7FFFFFFF  }
0xc3: {  	_ =	shalt  }
tec
execute0_lowered:
.L_overlay_start_1:
0x0: {  	(tag) =	ssettag $0x1  }
0x1: {  	s6 =	rddreg [dreg:$0x0]  }
0x2: {  	s0 =	srdreg.scid;
	s2 =	rddreg [dreg:$0x1];
	s3 =	simm.s32 $0x0  }
0x3: {  	s14 =	simm.s32 $0x64;
	s5 =	sand.u32 $0x1, s0;
	s0 =	stileid.u32  }
0x4: {  	s15 =	simm.s32 $0x6800;
	s16 =	simm.s32 $0x0;
	s8 =	smul.u32 $0x14000, s0  }
0x5: {  	[smem:$0x7FF] =	sst s3;
	s4 =	sadd.s32 $0x37800, s6;
	s9 =	smul.u32 $0x140000, s5  }
0x6: {  	s1 =	sshll.u32 s5, $0x4;
	s28 =	smul.u32 $0x50000, s0;
	s5 =	ssub.s32 $0x2, s5  }
0x7: {  	s31 =	sshll.u32 s0, $0x6;
	s1 =	sor.u32 s0, s1;
	s29 =	sshrl.u32 s5, $0x1  }
0x8: {  	s7 =	smul.u32 $0x680, s1;
	s1 =	rddreg [dreg:$0x2];
	_ =	strace $0x8000004D  }
0x9: {  	s26 =	sshrl.u32 s8, $0x3;
	s8 =	sadd.s32 s8, s9;
	s30 =	sshrl.u32 s28, $0x2  }
0xa: {  	s12 =	ssub.s32 s5, s29;
	s8 =	sshrl.u32 s8, $0x3;
	s13 =	sadd.s32 s30, s2  }
0xb: {  	s10 =	sadd.s32 s7, s6;
	s7 =	sadd.s32 s26, s6;
	s11 =	sadd.s32 s8, s6  }
0xc: {  	s6 =	sor.u32 $0x1C01, s31;
	s5 =	sadd.s32 $0xF800, s7;
	s7 =	sadd.s32 $0x88000, s10  }
0xd: {  	s8 =	sadd.s32 $0x2800, s10;
	s9 =	sadd.s32 $0x95000, s11;
	s10 =	smax.u32 s12, $0x1  }
0xe: {  	s11 =	sshrl.u32 s13, $0x3;
	s12 =	simm.s32 $0x1;
	s13 =	simm.s32 $0x3400  }
.LBB2_1:
0xf: {  	[spmem:s11], [sflag:s6] =	dma.local [hbm:s5], $0x2800  }
0x10: {  	_ =	swait.ge [sflag:s12], $0x2800  }
0x11: {  	[sflag:s12] =	ssyncset.done $0x0  }
0x12: {  	[sflag:s12] =	ssyncadd.s32 $0xFFFFD800  }
0x13: {  	[tilespmem:s3], [sflag:$0x1] =	stream.linear.gather [hbm4b:s7+s3], $0x3200, $0x38;
	[tilespmem:$0x1DC00] =	vst v63  }
0x14: {  	_ =	swait.ge [sflag:s12], $0x3200  }
0x15: {  	[sflag:s12] =	ssyncset.done $0x0  }
0x16: {  	[sflag:s12] =	ssyncadd.s32 $0xFFFFCE00  }
0x17: {  	[tilespmem:s13], [sflag:$0x1] =	stream.linear.gather [hbm4b:s8+s3], $0x3200, $0x38;
	[tilespmem:$0x1DC00] =	vst v63  }
0x18: {  	_ =	swait.ge [sflag:s12], $0x3200  }
0x19: {  	[sflag:s12] =	ssyncset.done $0x0  }
0x1a: {  	[sflag:s12] =	ssyncadd.s32 $0xFFFFCE00  }
0x1b: {  	s17 =	simm.s32 $0x0;
	[bflag:$0x0] =	sbarrier.arrive $0xFFFF  }
0x1c: {  	[tilespmem:s15], [sflag:$0x1] =	stream.indirect.gather [hbm4b:s4+s14], $0x80, s17, s14, $0xb8;
	[tilespmem:$0x1DC00] =	vst v63  }
0x1d: {  	_ =	swait.ge [sflag:s12], $0x3200  }
0x1e: {  	[sflag:s12] =	ssyncset.done $0x0  }
0x1f: {  	s31 =	simm.s32 $0x3400;
	[sflag:s12] =	ssyncadd.s32 $0xFFFFCE00  }
0x20: {  	[spmem:s2] =	stream.indirect.scatter.add.f32 [tilespmem:s15], [sflag:$0x1], $0x80, s31, s14, $0xb8;
	[tilespmem:$0x1DC00] =	vst v63  }
0x21: {  	_ =	swait.ge [sflag:s12], $0x3200  }
0x22: {  	s18 =	simm.s32 $0x400;
	s17 =	simm.s32 $0x200;
	[sflag:s12] =	ssyncset.done $0x0  }
.LBB2_2:
0x23: {  	s19 =	sshra.s32 s17, $0x2  }
0x24: {  	[sflag:s12] =	ssyncadd.s32 $0xFFFFCE00;
	s17 =	smov.u32 s18;
	s20 =	sadd.s32 $0x200, s18  }
0x25: {  	[tilespmem:s15], [sflag:$0x1] =	stream.indirect.gather [hbm4b:s4+s14], $0x80, s19, s14, $0xb8;
	[tilespmem:$0x1DC00] =	vst v63  }
0x26: {  	p0 =	sne.s32 s18, $0xC600;
	_ =	swait.ge [sflag:s12], $0x3200  }
.Ltmp0:
0x27: {  	[sflag:s12] =	ssyncset.done $0x0;
	(pc) =	sbr.rel @p0 .LBB2_2-.Ltmp0, $4  }
0x28: {  	s18 =	sadd.s32 $0x3400, s19;
	[sflag:s12] =	ssyncadd.s32 $0xFFFFCE00  }
0x29: {  	[spmem:s2] =	stream.indirect.scatter.add.f32 [tilespmem:s15], [sflag:$0x1], $0x80, s18, s14, $0xb8;
	[tilespmem:$0x1DC00] =	vst v63  }
0x2a: {  	_ =	swait.ge [sflag:s12], $0x3200  }
0x2b: {  	s18 =	smov.u32 s20;
	[sflag:s12] =	ssyncset.done $0x0  }
0x2c: {  	s17 =	sshra.s32 s17, $0x2;
	[sflag:s12] =	ssyncadd.s32 $0xFFFFCE00  }
0x2d: {  	[tilespmem:s15], [sflag:$0x1] =	stream.indirect.gather [hbm4b:s4+s14], $0x80, s17, s14, $0xb8;
	[tilespmem:$0x1DC00] =	vst v63  }
0x2e: {  	_ =	swait.ge [sflag:s12], $0x3200  }
0x2f: {  	[sflag:s12] =	ssyncset.done $0x0  }
0x30: {  	s17 =	sadd.s32 $0x3400, s17;
	[sflag:s12] =	ssyncadd.s32 $0xFFFFCE00  }
0x31: {  	[spmem:s2] =	stream.indirect.scatter.add.f32 [tilespmem:s15], [sflag:$0x1], $0x80, s17, s14, $0xb8;
	[tilespmem:$0x1DC00] =	vst v63  }
0x32: {  	_ =	swait.ge [sflag:s12], $0x3200  }
0x33: {  	[sflag:s12] =	ssyncset.done $0x0  }
0x34: {  	s16 =	sadd.s32 $0x1, s16;
	[sflag:s12] =	ssyncadd.s32 $0xFFFFCE00  }
0x35: {  	p0 =	sne.s32 s16, s10;
	[bflag:$0x0] =	sbarrier.arrive $0xFFFF  }
.Ltmp1:
0x36: {  	[bflag:$0x0] =	sbarrier.arrive $0xFFFF;
	(pc) =	sbr.rel @p0 .LBB2_1-.Ltmp1, $4  }
0x37: {  	[hbm:s9], [sflag:s6] =	dma.local [spmem:s11], $0x2800  }
0x38: {  	_ =	swait.ge [sflag:s12], $0x2800  }
0x39: {  	[sflag:s12] =	ssyncset.done $0x0  }
0x3a: {  	[sflag:s12] =	ssyncadd.s32 $0xFFFFD800  }
0x3b: {  	_ =	sfence.sel $0x180000  }
0x3c: {  	[bflag:$0x0] =	sbarrier.arrive $0xFFFF  }
0x3d: {  	p0 =	sne.s32 s0, $0x0;
	_ =	strace $0x9000004D  }
0x3e: {  	s0 =	sadd.s32 @!p0 $0x100000, s1;
	[bflag:$0x2] =	sbarrier.arrive $0xFFFF  }
0x3f: {  	[sflag:s0] =	ssyncadd.tile.s32 @!p0 $0x1;
	_ =	shalt  }
.Lfunc_end2:
_tile_overlayer_lowered:
.L_overlay_start_2:
0x40: {  	(tag) =	ssettag $0x2  }
0x41: {  	s0 =	rddreg [dreg:$0x0];
	s2 =	stileid.u32  }
0x42: {  	s1 =	rddreg [dreg:$0x1];
	p0 =	sne.s32 s2, $0x0  }
0x43: {  	s3 =	rddreg [dreg:$0x2];
	[bflag:$0x3] =	sbarrier.arrive $0xFFFF;
	s2 =	simm.s32 @!p0 $0x1C01  }
0x44: {  	[timem:s3], [sflag:s2] =	dma.local @!p0 [hbm:s0], s1  }
0x45: {  	s0 =	simm.s32 @!p0 $0x1  }
0x46: {  	_ =	swait.ge @!p0 [sflag:s0], s1  }
0x47: {  	s1 =	ssub.s32 @!p0 $0x0, s1;
	[sflag:s0] =	ssyncset.done @!p0 $0x0  }
0x48: {  	[sflag:s0] =	ssyncadd.s32 @!p0 s1  }
0x49: {  	[bflag:$0x3] =	sbarrier.arrive $0xFFFF  }
0x4a: {  	_ =	shalt  }

// kernel: kernel.9.cloned.1.call-start
scs
__scs_entry_jumppad:
0x0: {  	(pc) =	sbr.rel $0x88, $3  }
0x1: {  	(tag) =	ssettag $0x0;
	lr =	simm.s32 $0x1  }
0x2: {  	[smem:$0x3F95] =	sst lr;
	_ =	strace $0xD0000000  }
0x3: {  	_ = 	snop  }
0x4: {  	_ = 	snop  }
0x5: {  	_ = 	snop  }
0x6: {  	_ = 	snop  }
0x7: {  	_ = 	snop  }
__scs_overlays_trampoline_lowered:
0x8: {  	[smem:$0x3FA4] =	sst s0  }
0x9: {  	[smem:$0x3FA5] =	sst s1  }
0xa: {  	[smem:$0x3FA6] =	sst s2  }
0xb: {  	[smem:$0x3FA7] =	sst s3  }
0xc: {  	[smem:$0x3FA8] =	sst s4  }
0xd: {  	[smem:$0x3FA9] =	sst s5  }
0xe: {  	[smem:$0x3FAA] =	sst s6  }
0xf: {  	[smem:$0x3FAB] =	sst s7  }
0x10: {  	[smem:$0x3FAC] =	sst s8  }
0x11: {  	[smem:$0x3FAD] =	sst s9;
	s0 =	simm.s32 @!p0 $0x0  }
0x12: {  	s1 =	sld [smem:$0x3F93];
	s0 =	simm.s32 @p0 $0x1  }
0x13: {  	[smem:$0x3FAE] =	sst s0;
	s0 =	simm.s32 @!p1 $0x0  }
0x14: {  	s2 =	sld [smem:$0x3F92];
	s0 =	simm.s32 @p1 $0x1  }
0x15: {  	[smem:$0x3FAF] =	sst s0;
	s0 =	simm.s32 @!p2 $0x0  }
0x16: {  	s3 =	sld [smem:$0x3FDB];
	s0 =	simm.s32 @p2 $0x1  }
0x17: {  	s4 =	simm.s32 $0x1BF5;
	[smem:$0x3FB1] =	sst s0  }
0x18: {  	s0 =	sld [smem:$0x3F94];
	_ =	swait.ge [sflag:s4], $0x0  }
0x19: {  	s7 =	sld [smem:$0x3F95]  }
0x1a: {  	s8 =	sadd.s32 $0xFFFFE003, lr  }
0x1b: {  	s9 =	sadd.s32 $0xFFFFFEF7, lr;
	s5 =	simm.s32 $0xFFFFFFFF;
	p2 =	slt.u32 s8, $0xFFFFF086  }
0x1c: {  	p1 =	slt.u32 s9, $0xF7A;
	s5 =	simm.s32 @!p2 $0x0  }
0x1d: {  	s5 =	simm.s32 @p1 $0x1;
	p0 =	seq.s32 s7, s2  }
0x1e: {  	s7 =	smul.u32 @!p0 $0xF7A, s2;
	p2 =	seq.s32 @!p0 s5, $0x0  }
0x1f: {  	s9 =	smul.u32 $0xF7A, s1;
	s8 =	simm.s32 @!p0 $0x1BF5;
	p2 =	por !p2, p0  }
0x20: {  	[sflag:s8] =	ssyncset.s32 @!p0 $0xFFFFF086;
	s6 =	sadd.s32 @!p0 s3, s7;
	s7 =	simm.s32 @!p0 $0x108  }
0x21: {  	s3 =	sadd.s32 s3, s9;
	s6 =	sadd.s32 @!p0 $0x88, s6;
	s7 =	simm.s32 @p2 $0x1082  }
0x22: {  	[simem:s7], [sflag:s8] =	dma.local @!p0 [hbm:s6], $0xF7A  }
0x23: {  	s9 =	sor.u32 $0xD0000000, s2;
	s6 =	simm.s32 $0x108;
	_ =	swait.ge @!p0 [sflag:s8], $0x0  }
0x24: {  	s3 =	sadd.s32 $0x88, s3;
	s6 =	simm.s32 @!p1 $0x1082;
	[sflag:s4] =	ssyncset.s32 $0xFFFFF086  }
0x25: {  	[simem:s6], [sflag:s4] =	dma.local [hbm:s3], $0xF7A  }
0x26: {  	[smem:$0x3F95] =	sst s1;
	(tag) =	ssettag s2;
	_ =	strace s9  }
0x27: {  	s1 =	sld [smem:$0x3FA5]  }
0x28: {  	s2 =	sld [smem:$0x3FA6]  }
0x29: {  	s4 =	sld [smem:$0x3FA8]  }
0x2a: {  	p0 =	seq.s32 s5, $0x0;
	s5 =	sld [smem:$0x3FA9]  }
0x2b: {  	s6 =	sld [smem:$0x3FAA]  }
0x2c: {  	s7 =	sld [smem:$0x3FAB]  }
0x2d: {  	s3 =	simm.s32 $0x108;
	s8 =	sld [smem:$0x3FAC]  }
0x2e: {  	s3 =	simm.s32 @!p0 $0x1082;
	s9 =	sld [smem:$0x3FAD]  }
0x2f: {  	lr =	sadd.s32 s0, s3;
	s0 =	sld [smem:$0x3FA4]  }
0x30: {  	s3 =	sld [smem:$0x3FA7]  }
0x31: {  	[smem:$0x3FB0] =	sst s10  }
0x32: {  	s10 =	sld [smem:$0x3FAE];
	_ =	sdelay $0x3  }
0x33: {  	p0 =	seq.s32 s10, $0x1;
	s10 =	sld [smem:$0x3FB0];
	_ =	sdelay $0x3  }
0x34: {  	[smem:$0x3FB0] =	sst s10  }
0x35: {  	s10 =	sld [smem:$0x3FAF];
	_ =	sdelay $0x3  }
0x36: {  	p1 =	seq.s32 s10, $0x1;
	s10 =	sld [smem:$0x3FB0];
	_ =	sdelay $0x3  }
0x37: {  	[smem:$0x3FB0] =	sst s10  }
0x38: {  	s10 =	sld [smem:$0x3FB1]  }
0x39: {  	_ = 	snop;
	(pc) =	sbr.ind lr, $3  }
0x3a: {  	_ = 	snop  }
0x3b: {  	_ = 	snop  }
0x3c: {  	p2 =	seq.s32 s10, $0x1;
	s10 =	sld [smem:$0x3FB0]  }
0x3d: {  	_ =	shalt  }
0x3e: {  	_ =	shalt  }
0x3f: {  	_ =	shalt  }
0x40: {  	_ =	shalt  }
0x41: {  	_ =	shalt  }
0x42: {  	_ =	shalt  }
0x43: {  	_ =	shalt  }
0x44: {  	_ =	shalt  }
0x45: {  	_ =	shalt  }
0x46: {  	_ =	shalt  }
0x47: {  	_ =	shalt  }
0x48: {  	_ =	shalt  }
0x49: {  	_ =	shalt  }
0x4a: {  	_ =	shalt  }
0x4b: {  	_ =	shalt  }
0x4c: {  	_ =	shalt  }
0x4d: {  	_ =	shalt  }
0x4e: {  	_ =	shalt  }
0x4f: {  	_ =	shalt  }
0x50: {  	_ =	shalt  }
0x51: {  	_ =	shalt  }
0x52: {  	_ =	shalt  }
0x53: {  	_ =	shalt  }
0x54: {  	_ =	shalt  }
0x55: {  	_ =	shalt  }
0x56: {  	_ =	shalt  }
0x57: {  	_ =	shalt  }
0x58: {  	_ =	shalt  }
0x59: {  	_ =	shalt  }
0x5a: {  	_ =	shalt  }
0x5b: {  	_ =	shalt  }
0x5c: {  	_ =	shalt  }
0x5d: {  	_ =	shalt  }
0x5e: {  	_ =	shalt  }
0x5f: {  	_ =	shalt  }
0x60: {  	_ =	shalt  }
0x61: {  	_ =	shalt  }
0x62: {  	_ =	shalt  }
0x63: {  	_ =	shalt  }
0x64: {  	_ =	shalt  }
0x65: {  	_ =	shalt  }
0x66: {  	_ =	shalt  }
0x67: {  	_ =	shalt  }
0x68: {  	_ =	shalt  }
0x69: {  	_ =	shalt  }
0x6a: {  	_ =	shalt  }
0x6b: {  	_ =	shalt  }
0x6c: {  	_ =	shalt  }
0x6d: {  	_ =	shalt  }
0x6e: {  	_ =	shalt  }
0x6f: {  	_ =	shalt  }
0x70: {  	_ =	shalt  }
0x71: {  	_ =	shalt  }
0x72: {  	_ =	shalt  }
0x73: {  	_ =	shalt  }
0x74: {  	_ =	shalt  }
0x75: {  	_ =	shalt  }
0x76: {  	_ =	shalt  }
0x77: {  	_ =	shalt  }
0x78: {  	_ =	shalt  }
0x79: {  	_ =	shalt  }
0x7a: {  	_ =	shalt  }
0x7b: {  	_ =	shalt  }
0x7c: {  	_ =	shalt  }
0x7d: {  	_ =	shalt  }
0x7e: {  	_ =	shalt  }
0x7f: {  	_ =	shalt  }
0x80: {  	_ =	shalt  }
0x81: {  	_ =	shalt  }
0x82: {  	_ =	shalt  }
0x83: {  	_ =	shalt  }
0x84: {  	_ =	shalt  }
0x85: {  	_ =	shalt  }
0x86: {  	_ =	shalt  }
0x87: {  	_ =	shalt  }
.Lfunc_end0:
.L_simem_size_0:
called_computation_lowered:
.L_overlay_start_0:
0x88: {  	s2 =	sld [smem:$0x3FD9]  }
0x89: {  	s3 =	sld [smem:$0x3FFE];
	_ =	sdelay $0x1  }
0x8a: {  	s1 =	srdreg.scid  }
0x8b: {  	s0 =	sand.u32 $0x1, s1  }
0x8c: {  	s16 =	sshll.u32 s0, $0xA;
	s2 =	sadd.s32 s3, s2  }
0x8d: {  	s2 =	sadd.s32 s2, s16  }
0x8e: {  	[smem:$0x3FBC] =	sst s2  }
0x8f: {  	_ = 	snop  }
0x90: {  	(tm) =	ssettm $0x1  }
0x91: {  	s17 =	sld [smem:$0x3FFB];
	_ =	sdelay $0x3  }
0x92: {  	_ =	strace s17  }
0x93: {  	s2 =	sld [smem:$0x3FFC];
	_ =	sdelay $0x3  }
0x94: {  	_ =	strace s2  }
0x95: {  	s2 =	sld [smem:$0x3FFD];
	_ =	sdelay $0x3  }
0x96: {  	_ =	strace s2  }
0x97: {  	_ =	strace $0x8FFFFFFF  }
0x98: {  	s18 =	sld [smem:$0x3FDB];
	_ =	sdelay $0x1  }
0x99: {  	s19 =	simm.s32 $_scs_section_size  }
0x9a: {  	s4 =	simm.s32 $_size__tile_overlayer_lowered;
	s5 =	simm.s32 $_tile_overlayer_lowered  }
0x9b: {  	s22 =	simm.s32 $0x1BFF;
	s21 =	sshll.u32 s5, $0x1;
	s2 =	sadd.s32 s19, s18  }
0x9c: {  	s6 =	simm.s32 $0x0;
	s20 =	sshll.u32 s4, $0x1;
	s4 =	sadd.s32 s21, s2  }
0x9d: {  	[timem:s6], [sflag:s22] =	dma.local [hbm:s4], s20  }
0x9e: {  	_ =	swait.ge [sflag:s22], s20  }
0x9f: {  	s3 =	ssub.s32 $0x0, s20;
	[sflag:s22] =	ssyncset.done $0x0  }
0xa0: {  	[sflag:s22] =	ssyncadd.s32 s3;
	_ =	sdelay $0x1  }
0xa1: {  	s23 =	simm.s32 $0x1B8B  }
0xa2: {  	_ =	swait.ge [sflag:s23], $0x1  }
0xa3: {  	[sflag:s23] =	ssyncset.done $0x0  }
0xa4: {  	s25 =	simm.s32 $0x1B8E;
	s24 =	sld [smem:$0x3FFE];
	[sflag:s23] =	ssyncadd.s32 $0xFFFFFFFF  }
0xa5: {  	s26 =	simm.s32 $execute0_lowered;
	[smem:$0x3FD2] =	sst s25  }
0xa6: {  	s4 =	sshll.u32 s26, $0x1;
	_ =	strace $0x80000046;
	[dreg:$0x1] =	wrdreg $0xFFFFFFFF  }
0xa7: {  	s28 =	simm.s32 $_size_execute0_lowered;
	s2 =	sadd.s32 s2, s4;
	[dreg:$0x0] =	wrdreg $0x0  }
0xa8: {  	s4 =	sshll.u32 s28, $0x1;
	[dreg:$0x2] =	wrdreg s2  }
0xa9: {  	[dreg:$0x3] =	wrdreg s4  }
0xaa: {  	[dreg:$0x4] =	wrdreg $0xC0  }
0xab: {  	_ =	task [dreg:s6], $0x5FFFF  }
0xac: {  	[dreg:$0x1] =	wrdreg $0xFFFFFFFF  }
0xad: {  	[dreg:$0x0] =	wrdreg $0x60  }
0xae: {  	[dreg:$0x2] =	wrdreg s24  }
0xaf: {  	[dreg:$0x3] =	wrdreg $0x68000  }
0xb0: {  	[dreg:$0x4] =	wrdreg $0x9  }
0xb1: {  	_ =	task.clear_ibuf [dreg:s6], $0x5FFFF;
	_ =	strace $0x90000046  }
0xb2: {  	s29 =	simm.s32 $0x9;
	_ =	strace $0x80000048  }
0xb3: {  	_ =	swait.ge [sflag:s29], $0x1  }
0xb4: {  	[sflag:s29] =	ssyncadd.s32 $0xFFFFFFFF  }
0xb5: {  	_ =	strace $0x90000048  }
0xb6: {  	_ =	sfence  }
0xb7: {  	s30 =	sld [smem:$0x0];
	_ =	sdelay $0x2  }
0xb8: {  	s31 =	sshll.u32 s1, $0xD;
	s1 =	sshrl.u32 s1, $0x2  }
0xb9: {  	s3 =	sand.u32 $0x4000, s31;
	s1 =	sadd.s32 s1, s30  }
0xba: {  	s0 =	sor.u32 s3, s0;
	s1 =	sshll.u32 s1, $0x11  }
0xbb: {  	s0 =	sor.u32 s1, s0  }
0xbc: {  	s0 =	sadd.s32 $0x8F2B, s0  }
0xbd: {  	[sflag:s0] =	ssyncadd.remote.s32 $0x1  }
0xbe: {  	_ =	sfence.sel $0xFFFF  }
0xbf: {  	[dreg:$0x0] =	wrdreg $0xFFFFFFFF;
	(pc) =	sbr.abs _section_cstart, $3  }
0xc0: {  	[dreg:$0x1] =	wrdreg $0xFFFFFFFF  }
0xc1: {  	_ =	task.clear_ibuf [dreg:s6], $0x2FFFF;
	_ =	strace $0x9FFFFFFF  }
0xc2: {  	(tm) =	ssettm $0x7FFFFFFF  }
0xc3: {  	_ =	shalt  }
tec
execute0_lowered:
.L_overlay_start_1:
0x0: {  	(tag) =	ssettag $0x1  }
0x1: {  	s0 =	srdreg.scid;
	s5 =	rddreg [dreg:$0x0]  }
0x2: {  	s2 =	rddreg [dreg:$0x1];
	s4 =	sand.u32 $0x1, s0;
	s0 =	stileid.u32  }
0x3: {  	s3 =	simm.s32 $0x0;
	s14 =	simm.s32 $0x0;
	s7 =	smul.u32 $0x14000, s0  }
0x4: {  	[smem:$0x7FF] =	sst s3;
	s1 =	sshll.u32 s4, $0x4;
	s9 =	smul.u32 $0x140000, s4  }
0x5: {  	s28 =	ssub.s32 $0x2, s4;
	s29 =	smul.u32 $0x50000, s0;
	s4 =	sadd.s32 $0x37800, s5  }
0x6: {  	s31 =	sshll.u32 s0, $0x6;
	s6 =	sor.u32 s0, s1;
	s1 =	rddreg [dreg:$0x2]  }
0x7: {  	_ =	strace $0x80000047;
	s11 =	sshrl.u32 s28, $0x1;
	s6 =	smul.u32 $0x680, s6  }
0x8: {  	s8 =	sshrl.u32 s7, $0x3;
	s7 =	sadd.s32 s7, s9;
	s11 =	ssub.s32 s28, s11  }
0x9: {  	s30 =	sshrl.u32 s29, $0x2;
	s26 =	sadd.s32 s8, s5;
	s7 =	sshrl.u32 s7, $0x3  }
0xa: {  	s13 =	sadd.s32 s30, s2;
	s9 =	smax.u32 s11, $0x1;
	s11 =	simm.s32 $0x1  }
0xb: {  	s10 =	sadd.s32 s6, s5;
	s12 =	sadd.s32 s7, s5;
	s5 =	sadd.s32 $0xF800, s26  }
0xc: {  	s6 =	sor.u32 $0x1C01, s31;
	s7 =	sadd.s32 $0x2800, s10;
	s8 =	sadd.s32 $0x38000, s12  }
0xd: {  	s10 =	sshrl.u32 s13, $0x3;
	s12 =	simm.s32 $0x3400;
	s13 =	simm.s32 $0x64  }
.LBB2_1:
0xe: {  	[spmem:s10], [sflag:s6] =	dma.local [hbm:s5], $0x2800  }
0xf: {  	_ =	swait.ge [sflag:s11], $0x2800  }
0x10: {  	[sflag:s11] =	ssyncset.done $0x0  }
0x11: {  	[sflag:s11] =	ssyncadd.s32 $0xFFFFD800  }
0x12: {  	[tilespmem:s3], [sflag:$0x1] =	stream.linear.gather [hbm4b:s7+s3], $0x3200, $0x38;
	[tilespmem:$0x1A800] =	vst v63  }
0x13: {  	_ =	swait.ge [sflag:s11], $0x3200  }
0x14: {  	[sflag:s11] =	ssyncset.done $0x0  }
0x15: {  	[sflag:s11] =	ssyncadd.s32 $0xFFFFCE00  }
0x16: {  	[tilespmem:s12], [sflag:$0x1] =	stream.linear.gather [hbm4b:s4+s3], $0x3200, $0x38;
	[tilespmem:$0x1A800] =	vst v63  }
0x17: {  	_ =	swait.ge [sflag:s11], $0x3200  }
0x18: {  	[sflag:s11] =	ssyncset.done $0x0  }
0x19: {  	[sflag:s11] =	ssyncadd.s32 $0xFFFFCE00  }
0x1a: {  	s15 =	simm.s32 $0x0;
	[bflag:$0x0] =	sbarrier.arrive $0xFFFF  }
0x1b: {  	[spmem:s2] =	stream.indirect.scatter.add.f32 [tilespmem:s12], [sflag:$0x1], $0x80, s15, s13, $0xb8;
	[tilespmem:$0x1A800] =	vst v63  }
0x1c: {  	_ =	swait.ge [sflag:s11], $0x3200  }
0x1d: {  	s15 =	simm.s32 $0x200;
	[sflag:s11] =	ssyncset.done $0x0  }
.LBB2_2:
0x1e: {  	s16 =	sshra.s32 s15, $0x2;
	[sflag:s11] =	ssyncadd.s32 $0xFFFFCE00;
	p0 =	sne.s32 s15, $0xC600  }
0x1f: {  	[spmem:s2] =	stream.indirect.scatter.add.f32 [tilespmem:s12], [sflag:$0x1], $0x80, s16, s13, $0xb8;
	[tilespmem:$0x1A800] =	vst v63  }
.Ltmp0:
0x20: {  	_ = 	snop;
	(pc) =	sbr.rel @p0 .LBB2_2-.Ltmp0, $4  }
0x21: {  	_ = 	snop  }
0x22: {  	s15 =	sadd.s32 $0x200, s15  }
0x23: {  	_ =	swait.ge [sflag:s11], $0x3200  }
0x24: {  	[sflag:s11] =	ssyncset.done $0x0  }
0x25: {  	[sflag:s11] =	ssyncadd.s32 $0xFFFFCE00;
	s14 =	sadd.s32 $0x1, s14  }
0x26: {  	[bflag:$0x0] =	sbarrier.arrive $0xFFFF;
	p0 =	sne.s32 s14, s9  }
.Ltmp1:
0x27: {  	[bflag:$0x0] =	sbarrier.arrive $0xFFFF;
	(pc) =	sbr.rel @p0 .LBB2_1-.Ltmp1, $4  }
0x28: {  	[hbm:s8], [sflag:s6] =	dma.local [spmem:s10], $0x2800  }
0x29: {  	_ =	swait.ge [sflag:s11], $0x2800  }
0x2a: {  	[sflag:s11] =	ssyncset.done $0x0  }
0x2b: {  	[sflag:s11] =	ssyncadd.s32 $0xFFFFD800  }
0x2c: {  	_ =	sfence.sel $0x180000  }
0x2d: {  	[bflag:$0x0] =	sbarrier.arrive $0xFFFF  }
0x2e: {  	p0 =	sne.s32 s0, $0x0;
	_ =	strace $0x90000047  }
0x2f: {  	s0 =	sadd.s32 @!p0 $0x100000, s1;
	[bflag:$0x2] =	sbarrier.arrive $0xFFFF  }
0x30: {  	[sflag:s0] =	ssyncadd.tile.s32 @!p0 $0x1;
	_ =	shalt  }
.Lfunc_end2:
_tile_overlayer_lowered:
.L_overlay_start_2:
0x31: {  	(tag) =	ssettag $0x2  }
0x32: {  	s0 =	rddreg [dreg:$0x0];
	s2 =	stileid.u32  }
0x33: {  	s1 =	rddreg [dreg:$0x1];
	p0 =	sne.s32 s2, $0x0  }
0x34: {  	s3 =	rddreg [dreg:$0x2];
	[bflag:$0x3] =	sbarrier.arrive $0xFFFF;
	s2 =	simm.s32 @!p0 $0x1C01  }
0x35: {  	[timem:s3], [sflag:s2] =	dma.local @!p0 [hbm:s0], s1  }
0x36: {  	s0 =	simm.s32 @!p0 $0x1  }
0x37: {  	_ =	swait.ge @!p0 [sflag:s0], s1  }
0x38: {  	s1 =	ssub.s32 @!p0 $0x0, s1;
	[sflag:s0] =	ssyncset.done @!p0 $0x0  }
0x39: {  	[sflag:s0] =	ssyncadd.s32 @!p0 s1  }
0x3a: {  	[bflag:$0x3] =	sbarrier.arrive $0xFFFF  }
0x3b: {  	_ =	shalt  }

</sc_bundles>
